<compile_context>
chip_gen: v7x
topology: tpu7x:2x2x1
jax: 0.10.2.dev20260603
libtpu: 0.0.44.dev20260713+nightly
codegen_flags: <defaults>
</compile_context>

<pallas_src>
import functools

import jax
import jax.numpy as jnp
from jax import lax
from jax.experimental import pallas as pl
from jax.experimental.pallas import tpu as pltpu
from jax.experimental.pallas import tpu_sc as plsc

N = 10000
E = 320000
K = 80
NC, NS = 2, 16
NP = 10240
RPT = NP // NS
CHUNK = 2000
NBC = CHUNK // K

_sc_mesh = plsc.VectorSubcoreMesh(core_axis_name="c", subcore_axis_name="s")



@functools.partial(
    pl.kernel,
    out_type=jax.ShapeDtypeStruct((NC, NP, 128), jnp.float32),
    mesh=_sc_mesh,
    scratch_types=[
        pltpu.VMEM_SHARED((NP, 128), jnp.float32),
        pltpu.VMEM((E // (NC * NS) // K, K), jnp.int32),
        pltpu.VMEM((K, 128), jnp.float32),
        pltpu.SemaphoreType.DMA,
    ],
)
def _deg_kernel(dst_hbm, ones_hbm, zeros_hbm, out_hbm,
                accum, dstbuf, onesbuf, sem):
    c = lax.axis_index("c")
    s = lax.axis_index("s")
    nb = E // (NC * NS) // K
    pltpu.async_copy(zeros_hbm, accum.at[pl.ds(s * RPT, RPT)], sem)
    pltpu.async_copy(ones_hbm, onesbuf, sem)
    pltpu.async_copy(dst_hbm.at[c * NS + s], dstbuf, sem)
    pltpu.make_async_copy(zeros_hbm, accum.at[pl.ds(0, RPT)], sem).wait()
    pltpu.make_async_copy(ones_hbm, onesbuf, sem).wait()
    pltpu.make_async_copy(dst_hbm.at[0], dstbuf, sem).wait()
    plsc.subcore_barrier()

    def body(j, carry):
        pltpu.async_copy(onesbuf, accum.at[dstbuf.at[j]], sem, add=True)

        @pl.when(j >= 4)
        def _():
            pltpu.make_async_copy(onesbuf, accum.at[dstbuf.at[0]], sem).wait()

        return carry

    lax.fori_loop(0, nb, body, 0)
    for _ in range(4):
        pltpu.make_async_copy(onesbuf, accum.at[dstbuf.at[0]], sem).wait()
    plsc.subcore_barrier()
    pltpu.sync_copy(accum.at[pl.ds(s * RPT, RPT)],
                    out_hbm.at[c, pl.ds(s * RPT, RPT)])


def _make_agg(src_rows, split_edges):
    ept = E // (NC * NS) if split_edges else E // NS
    nch = ept // CHUNK

    @functools.partial(
        pl.kernel,
        out_type=jax.ShapeDtypeStruct((NC, NP, 128), jnp.float32),
        mesh=_sc_mesh,
        scratch_types=[
            pltpu.VMEM_SHARED((NP, 128), jnp.float32),
            pltpu.VMEM((CHUNK,), jnp.int32),
            pltpu.VMEM((NBC, K), jnp.int32),
            pltpu.VMEM((K, 128), jnp.float32),
            pltpu.VMEM((K, 128), jnp.float32),
            pltpu.VMEM((K, 128), jnp.float32),
            pltpu.VMEM((K, 128), jnp.float32),
            pltpu.SemaphoreType.DMA,
            pltpu.SemaphoreType.DMA,
        ],
    )
    def agg(feat_hbm, src_hbm, dst_hbm, zeros_hbm, out_hbm,
            accum, srcbuf, dstbuf, rows0, rows1, rows2, rows3, gsem, ssem):
        c = lax.axis_index("c")
        s = lax.axis_index("s")
        pltpu.async_copy(zeros_hbm, accum.at[pl.ds(s * RPT, RPT)], ssem)
        if split_edges:
            tile = c * NS + s
        else:
            tile = s

        def wait_gather(buf):
            pltpu.make_async_copy(
                feat_hbm.at[srcbuf.at[pl.ds(0, K)]], buf, gsem).wait()

        def wait_scatter():
            pltpu.make_async_copy(
                rows0, accum.at[dstbuf.at[0]], ssem).wait()

        def chunk_body(q, carry):
            pltpu.async_copy(src_hbm.at[pl.ds(tile * ept + q * CHUNK, CHUNK)],
                             srcbuf, gsem)
            pltpu.async_copy(dst_hbm.at[tile, q], dstbuf, gsem)
            pltpu.make_async_copy(
                src_hbm.at[pl.ds(0, CHUNK)], srcbuf, gsem).wait()
            pltpu.make_async_copy(dst_hbm.at[0, 0], dstbuf, gsem).wait()

            @pl.when(q == 0)
            def _():
                pltpu.make_async_copy(
                    zeros_hbm, accum.at[pl.ds(0, RPT)], ssem).wait()
                plsc.subcore_barrier()

            if not split_edges:
                def addoff(i, carry2):
                    srcbuf[pl.ds(i * 16, 16)] = (
                        srcbuf[pl.ds(i * 16, 16)] * 2 + c)
                    return carry2

                lax.fori_loop(0, CHUNK // 16, addoff, 0)

            bufs = (rows0, rows1, rows2, rows3)
            pltpu.async_copy(feat_hbm.at[srcbuf.at[pl.ds(0, K)]], rows0, gsem)
            pltpu.async_copy(feat_hbm.at[srcbuf.at[pl.ds(K, K)]], rows1, gsem)

            def step(j, carry2):
                def stage(cur, tgt):
                    wait_gather(cur)

                    @pl.when(j + 2 < NBC)
                    def _():
                        @pl.when(j >= 2)
                        def _():
                            wait_scatter()

                        pltpu.async_copy(
                            feat_hbm.at[srcbuf.at[pl.ds((j + 2) * K, K)]],
                            tgt, gsem)

                    pltpu.async_copy(cur, accum.at[dstbuf.at[j]], ssem,
                                     add=True)

                for p in range(4):
                    @pl.when(j % 4 == p)
                    def _(p=p):
                        stage(bufs[p], bufs[(p + 2) % 4])

                return carry2

            lax.fori_loop(0, NBC, step, 0)
            for _ in range(4):
                wait_scatter()
            return carry

        lax.fori_loop(0, nch, chunk_body, 0)
        plsc.subcore_barrier()
        pltpu.sync_copy(accum.at[pl.ds(s * RPT, RPT)],
                        out_hbm.at[c, pl.ds(s * RPT, RPT)])

    return agg


_agg_split = _make_agg(N, True)
_agg_feat = _make_agg(2 * N, False)



_BLK = 1000


def _prescale_call(degp, x):
    def body(degp_ref, x_ref, xs_ref, dis_ref):
        deg = degp_ref[0, :, 0:1] + degp_ref[1, :, 0:1] + 1.0
        d = lax.rsqrt(deg)
        dis_ref[...] = d
        xs_ref[...] = x_ref[...] * d

    return pl.pallas_call(
        body,
        grid=(N // _BLK,),
        in_specs=[
            pl.BlockSpec((NC, _BLK, 128), lambda i: (0, i, 0)),
            pl.BlockSpec((_BLK, 128), lambda i: (i, 0)),
        ],
        out_specs=[
            pl.BlockSpec((_BLK, 128), lambda i: (i, 0)),
            pl.BlockSpec((_BLK, 1), lambda i: (i, 0)),
        ],
        out_shape=[
            jax.ShapeDtypeStruct((N, 128), jnp.float32),
            jax.ShapeDtypeStruct((N, 1), jnp.float32),
        ],
    )(degp, x)


def _layer1_call(s1, x, dis, W1, b1, W2p):
    def body(s1_ref, x_ref, dis_ref, W1_ref, b1_ref, W2_ref, out_ref):
        d = dis_ref[...]
        agg = d * (s1_ref[0] + s1_ref[1]) + (d * d) * x_ref[...]
        h1 = jnp.maximum(
            jnp.dot(agg.astype(jnp.bfloat16), W1_ref[...],
                    preferred_element_type=jnp.float32)
            + b1_ref[...], 0.0)
        g = jnp.dot(h1.astype(jnp.bfloat16), W2_ref[...],
                    preferred_element_type=jnp.float32)
        out_ref[...] = d * g

    return pl.pallas_call(
        body,
        grid=(N // _BLK,),
        in_specs=[
            pl.BlockSpec((NC, _BLK, 128), lambda i: (0, i, 0)),
            pl.BlockSpec((_BLK, 128), lambda i: (i, 0)),
            pl.BlockSpec((_BLK, 1), lambda i: (i, 0)),
            pl.BlockSpec((128, 512), lambda i: (0, 0)),
            pl.BlockSpec((1, 512), lambda i: (0, 0)),
            pl.BlockSpec((512, 256), lambda i: (0, 0)),
        ],
        out_specs=pl.BlockSpec((_BLK, 256), lambda i: (i, 0)),
        out_shape=jax.ShapeDtypeStruct((N, 256), jnp.float32),
    )(s1, x, dis, W1.astype(jnp.bfloat16), b1, W2p.astype(jnp.bfloat16))


def _layer2_call(s2, gsc, dis, b2p):
    def body(s2_ref, gsc_ref, dis_ref, b2_ref, out_ref):
        d = dis_ref[...]
        s2cat = jnp.concatenate([s2_ref[0], s2_ref[1]], axis=1)
        val = jnp.maximum(d * (s2cat + gsc_ref[...]) + b2_ref[...], 0.0)
        out_ref[...] = val[:, :250]

    return pl.pallas_call(
        body,
        grid=(N // _BLK,),
        in_specs=[
            pl.BlockSpec((NC, _BLK, 128), lambda i: (0, i, 0)),
            pl.BlockSpec((_BLK, 256), lambda i: (i, 0)),
            pl.BlockSpec((_BLK, 1), lambda i: (i, 0)),
            pl.BlockSpec((1, 256), lambda i: (0, 0)),
        ],
        out_specs=pl.BlockSpec((_BLK, 250), lambda i: (i, 0)),
        out_shape=jax.ShapeDtypeStruct((N, 250), jnp.float32),
    )(s2, gsc, dis, b2p)



def kernel(x, edge_index, W1, b1, W2, b2):
    src = edge_index[0]
    dst3s = edge_index[1].reshape(NC * NS, E // (NC * NS) // CHUNK, NBC, K)
    dst3f = edge_index[1].reshape(NS, E // NS // CHUNK, NBC, K)
    dst3d = edge_index[1].reshape(NC * NS, E // (NC * NS) // K, K)
    ones128 = jnp.ones((K, 128), jnp.float32)
    zeros128 = jnp.zeros((RPT, 128), jnp.float32)
    W2p = jnp.pad(W2, ((0, 0), (0, 256 - W2.shape[1])))
    b2p = jnp.pad(b2, (0, 256 - b2.shape[0])).reshape(1, 256)

    degp = _deg_kernel(dst3d, ones128, zeros128)
    xs, dis = _prescale_call(degp, x)
    s1 = _agg_split(xs, src, dst3s, zeros128)
    gsc = _layer1_call(s1, x, dis, W1, b1.reshape(1, 512), W2p)
    s2 = _agg_feat(gsc.reshape(2 * N, 128), src, dst3f, zeros128)
    return _layer2_call(s2, gsc, dis, b2p)

# --- scband reference (transcript-rebuilt; emitter-appended) ---
"""Pipeline reference for scband-simple-gcn-21225728377317 (READ-ONLY COPY).

The authoritative reference and input builder live on the scoring server;
editing this copy changes nothing except your own understanding.
"""

import jax, jax.numpy as jnp
import numpy as np

N = 10000
E = 320000
D_IN = 128
D_HID = 512
D_OUT = 250


def _glorot(key, fan_in, fan_out):
    limit = (6.0 / (fan_in + fan_out)) ** 0.5
    return jax.random.uniform(key, (fan_in, fan_out), dtype=jnp.float32, minval=-limit, maxval=limit)


def setup_inputs(seed: int = 0) -> dict:
    key = jax.random.key(seed)
    k1, k2, k3, k4 = jax.random.split(key, 4)
    x = jax.random.normal(k1, (N, D_IN), dtype=jnp.float32)
    edge_index = jax.random.randint(k2, (2, E), 0, N, dtype=jnp.int32)
    W1 = _glorot(k3, D_IN, D_HID)
    b1 = jnp.zeros((D_HID,), dtype=jnp.float32)
    W2 = _glorot(k4, D_HID, D_OUT)
    b2 = jnp.zeros((D_OUT,), dtype=jnp.float32)
    return {"x": x, "edge_index": edge_index, "W1": W1, "b1": b1, "W2": W2, "b2": b2}


def _gcn_conv(x, edge_index, W, b):
    # Faithful to PyG GCNConv: add self-loops, symmetric normalization, linear, scatter-add, bias.
    n = x.shape[0]
    loop = jnp.arange(n, dtype=edge_index.dtype)
    src = jnp.concatenate([edge_index[0], loop])
    dst = jnp.concatenate([edge_index[1], loop])
    deg = jax.ops.segment_sum(jnp.ones_like(dst, dtype=x.dtype), dst, num_segments=n)
    deg_inv_sqrt = jnp.where(deg > 0, jax.lax.rsqrt(jnp.maximum(deg, 1e-12)), 0.0)
    norm = deg_inv_sqrt[src] * deg_inv_sqrt[dst]
    h = x @ W
    msg = jnp.take(h, src, axis=0) * norm[:, None]
    out = jax.ops.segment_sum(msg, dst, num_segments=n)
    return out + b


def reference(x, edge_index, W1, b1, W2, b2):
    h = jax.nn.relu(_gcn_conv(x, edge_index, W1, b1))
    out = jax.nn.relu(_gcn_conv(h, edge_index, W2, b2))
    return out

if __name__ == "__main__":
    import jax
    _d = setup_inputs()
    print(jax.jit(kernel)(*tuple(_d.values())))

</pallas_src>

<mosaic_0001>
#map = affine_map<(d0, d1) -> (0, 0)>
#map1 = affine_map<(d0, d1) -> (0)>
#map2 = affine_map<(d0, d1) -> (0, 0, 0, 0)>
#map3 = affine_map<(d0, d1) -> (0, 0, 0)>
module attributes {stable_mosaic.version = 14 : i64} {
  func.func @agg(%arg0: i32, %arg1: i32, %arg2: memref<20000x128xf32, #tpu.memory_space<hbm>>, %arg3: memref<320000xi32, #tpu.memory_space<hbm>>, %arg4: memref<16x10x25x80xi32, #tpu.memory_space<hbm>>, %arg5: memref<640x128xf32, #tpu.memory_space<hbm>>, %arg6: memref<2x10240x128xf32, #tpu.memory_space<hbm>>, %arg7: memref<10240x128xf32, #tpu.memory_space<vmem_shared>>, %arg8: memref<2000xi32, #tpu.memory_space<vmem>>, %arg9: memref<25x80xi32, #tpu.memory_space<vmem>>, %arg10: memref<80x128xf32, #tpu.memory_space<vmem>>, %arg11: memref<80x128xf32, #tpu.memory_space<vmem>>, %arg12: memref<80x128xf32, #tpu.memory_space<vmem>>, %arg13: memref<80x128xf32, #tpu.memory_space<vmem>>, %arg14: memref<!tpu.dma_semaphore, #tpu.memory_space<semaphore_mem>>, %arg15: memref<!tpu.dma_semaphore, #tpu.memory_space<semaphore_mem>>) attributes {dimension_semantics = [#tpu.dimension_semantics<core_parallel>, #tpu.dimension_semantics<subcore_parallel>], iteration_bounds = array<i64: 2, 16>, scalar_prefetch = 0 : i64, scratch_operands = 9 : i64, tpu.core_type = #tpu.core_type<sc_vector_subcore>, window_params = [{transform_indices = #map}, {transform_indices = #map1}, {transform_indices = #map2}, {transform_indices = #map}, {transform_indices = #map3}]} {
    %mul3A = arith.constant 640 : i32
    %mul3A_0 = arith.muli %arg1, %mul3A : i32
    %dma_start3A = arith.constant 0 : i32
    %dma_start3A_1 = tpu.memref_slice %arg7[%mul3A_0, %dma_start3A] : memref<10240x128xf32, #tpu.memory_space<vmem_shared>> -> memref<640x128xf32, #tpu.memory_space<vmem_shared>>
    tpu.enqueue_dma source(%arg5 : memref<640x128xf32, #tpu.memory_space<hbm>>) target(%dma_start3A_1 : memref<640x128xf32, #tpu.memory_space<vmem_shared>>) target_semaphore(%arg15 : memref<!tpu.dma_semaphore, #tpu.memory_space<semaphore_mem>>)
    %scan3A = arith.constant 0 : i32
    %scan3A_2 = arith.constant 0 : i32
    %scan3A_3 = arith.constant 10 : i32
    %scan3A_4 = arith.addi %scan3A_2, %scan3A_3 : i32
    %scan3A_5 = arith.constant 1 : i32
    scf.for %scan3A_11 = %scan3A_2 to %scan3A_4 step %scan3A_5  : i32 {
      %mul3A_12 = arith.constant 20000 : i32
      %mul3A_13 = arith.muli %arg1, %mul3A_12 : i32
      %mul3A_14 = arith.constant 2000 : i32
      %mul3A_15 = arith.muli %scan3A_11, %mul3A_14 : i32
      %add3A = arith.addi %mul3A_13, %mul3A_15 : i32
      %dma_start3A_16 = tpu.memref_slice %arg3[%add3A] : memref<320000xi32, #tpu.memory_space<hbm>> -> memref<2000xi32, #tpu.memory_space<hbm>>
      %dma_start3A_17 = tpu.memref_slice %arg3[%add3A] : memref<320000xi32, #tpu.memory_space<hbm>> -> memref<2000xi32, #tpu.memory_space<hbm>>
      tpu.enqueue_dma source(%dma_start3A_17 : memref<2000xi32, #tpu.memory_space<hbm>>) target(%arg8 : memref<2000xi32, #tpu.memory_space<vmem>>) target_semaphore(%arg14 : memref<!tpu.dma_semaphore, #tpu.memory_space<semaphore_mem>>)
      %dma_start3A_18 = arith.constant 0 : i32
      %dma_start3A_19 = arith.constant 0 : i32
      %dma_start3A_20 = tpu.memref_slice %arg4[%arg1, %scan3A_11, %dma_start3A_18, %dma_start3A_19] : memref<16x10x25x80xi32, #tpu.memory_space<hbm>> -> memref<1x1x25x80xi32, #tpu.memory_space<hbm>>
      %dma_start3A_21 = tpu.memref_squeeze %dma_start3A_20 : memref<1x1x25x80xi32, #tpu.memory_space<hbm>> -> memref<25x80xi32, #tpu.memory_space<hbm>>
      %dma_start3A_22 = arith.constant 0 : i32
      %dma_start3A_23 = arith.constant 0 : i32
      %dma_start3A_24 = tpu.memref_slice %arg4[%arg1, %scan3A_11, %dma_start3A_22, %dma_start3A_23] : memref<16x10x25x80xi32, #tpu.memory_space<hbm>> -> memref<1x1x25x80xi32, #tpu.memory_space<hbm>>
      %dma_start3A_25 = tpu.memref_squeeze %dma_start3A_24 : memref<1x1x25x80xi32, #tpu.memory_space<hbm>> -> memref<25x80xi32, #tpu.memory_space<hbm>>
      tpu.enqueue_dma source(%dma_start3A_25 : memref<25x80xi32, #tpu.memory_space<hbm>>) target(%arg9 : memref<25x80xi32, #tpu.memory_space<vmem>>) target_semaphore(%arg14 : memref<!tpu.dma_semaphore, #tpu.memory_space<semaphore_mem>>)
      %dma_wait3A = arith.constant 0 : i32
      %dma_wait3A_26 = tpu.memref_slice %arg3[%dma_wait3A] : memref<320000xi32, #tpu.memory_space<hbm>> -> memref<2000xi32, #tpu.memory_space<hbm>>
      %dma_wait3A_27 = arith.constant 0 : i32
      %dma_wait3A_28 = tpu.memref_slice %arg3[%dma_wait3A_27] : memref<320000xi32, #tpu.memory_space<hbm>> -> memref<2000xi32, #tpu.memory_space<hbm>>
      tpu.wait_dma2 semaphore(%arg14 : memref<!tpu.dma_semaphore, #tpu.memory_space<semaphore_mem>>) src(%dma_wait3A_28 : memref<2000xi32, #tpu.memory_space<hbm>>) dst(%arg8 : memref<2000xi32, #tpu.memory_space<vmem>>)
      %dma_wait3A_29 = arith.constant 0 : i32
      %dma_wait3A_30 = arith.constant 0 : i32
      %dma_wait3A_31 = arith.constant 0 : i32
      %dma_wait3A_32 = arith.constant 0 : i32
      %dma_wait3A_33 = tpu.memref_slice %arg4[%dma_wait3A_29, %dma_wait3A_30, %dma_wait3A_31, %dma_wait3A_32] : memref<16x10x25x80xi32, #tpu.memory_space<hbm>> -> memref<1x1x25x80xi32, #tpu.memory_space<hbm>>
      %dma_wait3A_34 = tpu.memref_squeeze %dma_wait3A_33 : memref<1x1x25x80xi32, #tpu.memory_space<hbm>> -> memref<25x80xi32, #tpu.memory_space<hbm>>
      %dma_wait3A_35 = arith.constant 0 : i32
      %dma_wait3A_36 = arith.constant 0 : i32
      %dma_wait3A_37 = tpu.memref_slice %arg4[%dma_wait3A_29, %dma_wait3A_30, %dma_wait3A_35, %dma_wait3A_36] : memref<16x10x25x80xi32, #tpu.memory_space<hbm>> -> memref<1x1x25x80xi32, #tpu.memory_space<hbm>>
      %dma_wait3A_38 = tpu.memref_squeeze %dma_wait3A_37 : memref<1x1x25x80xi32, #tpu.memory_space<hbm>> -> memref<25x80xi32, #tpu.memory_space<hbm>>
      tpu.wait_dma2 semaphore(%arg14 : memref<!tpu.dma_semaphore, #tpu.memory_space<semaphore_mem>>) src(%dma_wait3A_38 : memref<25x80xi32, #tpu.memory_space<hbm>>) dst(%arg9 : memref<25x80xi32, #tpu.memory_space<vmem>>)
      %eq3A = arith.constant 0 : i32
      %eq3A_39 = arith.cmpi eq, %scan3A_11, %eq3A : i32
      %convert_element_type3A = arith.extui %eq3A_39 : i1 to i32
      %cond3A = arith.constant 0 : i32
      %cond3A_40 = arith.cmpi ne, %convert_element_type3A, %cond3A : i32
      scf.if %cond3A_40 {
        %dma_wait3A_91 = arith.constant 0 : i32
        %dma_wait3A_92 = arith.constant 0 : i32
        %dma_wait3A_93 = tpu.memref_slice %arg7[%dma_wait3A_91, %dma_wait3A_92] : memref<10240x128xf32, #tpu.memory_space<vmem_shared>> -> memref<640x128xf32, #tpu.memory_space<vmem_shared>>
        tpu.wait_dma2 semaphore(%arg15 : memref<!tpu.dma_semaphore, #tpu.memory_space<semaphore_mem>>) src(%arg5 : memref<640x128xf32, #tpu.memory_space<hbm>>) dst(%dma_wait3A_93 : memref<640x128xf32, #tpu.memory_space<vmem_shared>>)
        %barrier3A_94 = arith.constant 0 : index
        tpu.barrier barrier_id(%barrier3A_94)
      } else {
      }
      %scan3A_41 = arith.constant 0 : i32
      %scan3A_42 = arith.constant 0 : i32
      %scan3A_43 = arith.constant 125 : i32
      %scan3A_44 = arith.addi %scan3A_42, %scan3A_43 : i32
      %scan3A_45 = arith.constant 1 : i32
      scf.for %scan3A_91 = %scan3A_42 to %scan3A_44 step %scan3A_45  : i32 {
        %mul3A_92 = arith.constant 16 : i32
        %mul3A_93 = arith.muli %scan3A_91, %mul3A_92 : i32
        %get3A = arith.index_cast %mul3A_93 : i32 to index
        %get3A_94 = tpu.vector_load %arg8[%get3A] {strides = array<i32>} : memref<2000xi32, #tpu.memory_space<vmem>>, vector<16xi32>,
        %get3A_95 = vector.shape_cast %get3A_94 : vector<16xi32> to vector<16xi32>
        %mul3A_96 = arith.constant 2 : i32
        %mul3A_97 = vector.broadcast %mul3A_96 : i32 to vector<16xi32>
        %mul3A_98 = arith.muli %get3A_95, %mul3A_97 : vector<16xi32>
        %add3A_99 = vector.broadcast %arg0 : i32 to vector<16xi32>
        %add3A_100 = arith.addi %mul3A_98, %add3A_99 : vector<16xi32>
        %mul3A_101 = arith.constant 16 : i32
        %mul3A_102 = arith.muli %scan3A_91, %mul3A_101 : i32
        %swap3A = arith.index_cast %mul3A_102 : i32 to index
        %swap3A_103 = tpu.vector_load %arg8[%swap3A] {strides = array<i32>} : memref<2000xi32, #tpu.memory_space<vmem>>, vector<16xi32>,
        %swap3A_104 = vector.shape_cast %swap3A_103 : vector<16xi32> to vector<16xi32>
        %swap3A_105 = vector.shape_cast %add3A_100 : vector<16xi32> to vector<16xi32>
        tpu.vector_store %arg8[%swap3A], %swap3A_105 {strides = array<i32>} : memref<2000xi32, #tpu.memory_space<vmem>>, vector<16xi32>,
      }
      %scan3A_46 = arith.constant 125 : i32
      %dma_start3A_47 = arith.constant 0 : i32
      %dma_start3A_48 = tpu.memref_slice %arg8[%dma_start3A_47] : memref<2000xi32, #tpu.memory_space<vmem>> -> memref<80xi32, #tpu.memory_space<vmem>>
      %dma_start3A_49 = arith.constant 0 : i32
      %dma_start3A_50 = arith.constant 0 : i32
      %dma_start3A_51 = tpu.memref_slice %arg2[%dma_start3A_49, %dma_start3A_50] : memref<20000x128xf32, #tpu.memory_space<hbm>> -> memref<20000x128xf32, #tpu.memory_space<hbm>>
      tpu.enqueue_indirect_dma source(%dma_start3A_51 : memref<20000x128xf32, #tpu.memory_space<hbm>>) target(%arg10 : memref<80x128xf32, #tpu.memory_space<vmem>>) offsets(%dma_start3A_48 : memref<80xi32, #tpu.memory_space<vmem>>) semaphore(%arg14 : memref<!tpu.dma_semaphore, #tpu.memory_space<semaphore_mem>>)
      %dma_start3A_52 = arith.constant 80 : i32
      %dma_start3A_53 = tpu.memref_slice %arg8[%dma_start3A_52] : memref<2000xi32, #tpu.memory_space<vmem>> -> memref<80xi32, #tpu.memory_space<vmem>>
      %dma_start3A_54 = arith.constant 0 : i32
      %dma_start3A_55 = arith.constant 0 : i32
      %dma_start3A_56 = tpu.memref_slice %arg2[%dma_start3A_54, %dma_start3A_55] : memref<20000x128xf32, #tpu.memory_space<hbm>> -> memref<20000x128xf32, #tpu.memory_space<hbm>>
      tpu.enqueue_indirect_dma source(%dma_start3A_56 : memref<20000x128xf32, #tpu.memory_space<hbm>>) target(%arg11 : memref<80x128xf32, #tpu.memory_space<vmem>>) offsets(%dma_start3A_53 : memref<80xi32, #tpu.memory_space<vmem>>) semaphore(%arg14 : memref<!tpu.dma_semaphore, #tpu.memory_space<semaphore_mem>>)
      %scan3A_57 = arith.constant 0 : i32
      %scan3A_58 = arith.constant 0 : i32
      %scan3A_59 = arith.constant 25 : i32
      %scan3A_60 = arith.addi %scan3A_58, %scan3A_59 : i32
      %scan3A_61 = arith.constant 1 : i32
      scf.for %scan3A_91 = %scan3A_58 to %scan3A_60 step %scan3A_61  : i32 {
        %jit3A = arith.constant 4 : i32
        %eq3A_92 = arith.constant 0 : i32
        %eq3A_93 = arith.cmpi eq, %jit3A, %eq3A_92 : i32
        %jit3A_94 = arith.constant 1 : i32
        %select_n3A = arith.select %eq3A_93, %jit3A_94, %jit3A : i32
        %rem3A = arith.remsi %scan3A_91, %select_n3A : i32
        %ne3A = arith.constant 0 : i32
        %ne3A_95 = arith.cmpi ne, %rem3A, %ne3A : i32
        %lt3A = arith.constant 0 : i32
        %lt3A_96 = arith.cmpi slt, %rem3A, %lt3A : i32
        %lt3A_97 = arith.constant 0 : i32
        %lt3A_98 = arith.cmpi slt, %select_n3A, %lt3A_97 : i32
        %ne3A_99 = arith.xori %lt3A_96, %lt3A_98 : i1
        %and3A = arith.andi %ne3A_99, %ne3A_95 : i1
        %add3A_100 = arith.addi %rem3A, %select_n3A : i32
        %select_n3A_101 = arith.select %and3A, %add3A_100, %rem3A : i32
        %eq3A_102 = arith.constant 0 : i32
        %eq3A_103 = arith.cmpi eq, %select_n3A_101, %eq3A_102 : i32
        %convert_element_type3A_104 = arith.extui %eq3A_103 : i1 to i32
        %cond3A_105 = arith.constant 0 : i32
        %cond3A_106 = arith.cmpi ne, %convert_element_type3A_104, %cond3A_105 : i32
        scf.if %cond3A_106 {
          %dma_wait3A_170 = arith.constant 0 : i32
          %dma_wait3A_171 = tpu.memref_slice %arg8[%dma_wait3A_170] : memref<2000xi32, #tpu.memory_space<vmem>> -> memref<80xi32, #tpu.memory_space<vmem>>
          %dma_wait3A_172 = arith.constant 0 : i32
          %dma_wait3A_173 = arith.constant 0 : i32
          %dma_wait3A_174 = tpu.memref_slice %arg2[%dma_wait3A_172, %dma_wait3A_173] : memref<20000x128xf32, #tpu.memory_space<hbm>> -> memref<20000x128xf32, #tpu.memory_space<hbm>>
          tpu.wait_indirect_dma semaphore(%arg14 : memref<!tpu.dma_semaphore, #tpu.memory_space<semaphore_mem>>) src(%dma_wait3A_174 : memref<20000x128xf32, #tpu.memory_space<hbm>>) dst(%arg10 : memref<80x128xf32, #tpu.memory_space<vmem>>)
          %add3A_175 = arith.constant 2 : i32
          %add3A_176 = arith.addi %scan3A_91, %add3A_175 : i32
          %lt3A_177 = arith.constant 25 : i32
          %lt3A_178 = arith.cmpi slt, %add3A_176, %lt3A_177 : i32
          %convert_element_type3A_179 = arith.extui %lt3A_178 : i1 to i32
          %cond3A_180 = arith.constant 0 : i32
          %cond3A_181 = arith.cmpi ne, %convert_element_type3A_179, %cond3A_180 : i32
          scf.if %cond3A_181 {
            %ge3A = arith.constant 2 : i32
            %ge3A_188 = arith.cmpi sge, %scan3A_91, %ge3A : i32
            %convert_element_type3A_189 = arith.extui %ge3A_188 : i1 to i32
            %cond3A_190 = arith.constant 0 : i32
            %cond3A_191 = arith.cmpi ne, %convert_element_type3A_189, %cond3A_190 : i32
            scf.if %cond3A_191 {
              %dma_wait3A_200 = arith.constant 0 : i32
              %dma_wait3A_201 = arith.constant 0 : i32
              %dma_wait3A_202 = tpu.memref_slice %arg9[%dma_wait3A_200, %dma_wait3A_201] : memref<25x80xi32, #tpu.memory_space<vmem>> -> memref<1x80xi32, #tpu.memory_space<vmem>>
              %dma_wait3A_203 = tpu.memref_squeeze %dma_wait3A_202 : memref<1x80xi32, #tpu.memory_space<vmem>> -> memref<80xi32, #tpu.memory_space<vmem>>
              %dma_wait3A_204 = arith.constant 0 : i32
              %dma_wait3A_205 = arith.constant 0 : i32
              %dma_wait3A_206 = tpu.memref_slice %arg7[%dma_wait3A_204, %dma_wait3A_205] : memref<10240x128xf32, #tpu.memory_space<vmem_shared>> -> memref<10240x128xf32, #tpu.memory_space<vmem_shared>>
              tpu.wait_indirect_dma semaphore(%arg15 : memref<!tpu.dma_semaphore, #tpu.memory_space<semaphore_mem>>) src(%arg10 : memref<80x128xf32, #tpu.memory_space<vmem>>) dst(%dma_wait3A_206 : memref<10240x128xf32, #tpu.memory_space<vmem_shared>>)
            } else {
            }
            %add3A_192 = arith.constant 2 : i32
            %add3A_193 = arith.addi %scan3A_91, %add3A_192 : i32
            %mul3A_194 = arith.constant 80 : i32
            %mul3A_195 = arith.muli %add3A_193, %mul3A_194 : i32
            %dma_start3A_196 = tpu.memref_slice %arg8[%mul3A_195] : memref<2000xi32, #tpu.memory_space<vmem>> -> memref<80xi32, #tpu.memory_space<vmem>>
            %dma_start3A_197 = arith.constant 0 : i32
            %dma_start3A_198 = arith.constant 0 : i32
            %dma_start3A_199 = tpu.memref_slice %arg2[%dma_start3A_197, %dma_start3A_198] : memref<20000x128xf32, #tpu.memory_space<hbm>> -> memref<20000x128xf32, #tpu.memory_space<hbm>>
            tpu.enqueue_indirect_dma source(%dma_start3A_199 : memref<20000x128xf32, #tpu.memory_space<hbm>>) target(%arg12 : memref<80x128xf32, #tpu.memory_space<vmem>>) offsets(%dma_start3A_196 : memref<80xi32, #tpu.memory_space<vmem>>) semaphore(%arg14 : memref<!tpu.dma_semaphore, #tpu.memory_space<semaphore_mem>>)
          } else {
          }
          %dma_start3A_182 = arith.constant 0 : i32
          %dma_start3A_183 = tpu.memref_slice %arg9[%scan3A_91, %dma_start3A_182] : memref<25x80xi32, #tpu.memory_space<vmem>> -> memref<1x80xi32, #tpu.memory_space<vmem>>
          %dma_start3A_184 = tpu.memref_squeeze %dma_start3A_183 : memref<1x80xi32, #tpu.memory_space<vmem>> -> memref<80xi32, #tpu.memory_space<vmem>>
          %dma_start3A_185 = arith.constant 0 : i32
          %dma_start3A_186 = arith.constant 0 : i32
          %dma_start3A_187 = tpu.memref_slice %arg7[%dma_start3A_185, %dma_start3A_186] : memref<10240x128xf32, #tpu.memory_space<vmem_shared>> -> memref<10240x128xf32, #tpu.memory_space<vmem_shared>>
          tpu.enqueue_indirect_dma source(%arg10 : memref<80x128xf32, #tpu.memory_space<vmem>>) target(%dma_start3A_187 : memref<10240x128xf32, #tpu.memory_space<vmem_shared>>) offsets(%dma_start3A_184 : memref<80xi32, #tpu.memory_space<vmem>>) semaphore(%arg15 : memref<!tpu.dma_semaphore, #tpu.memory_space<semaphore_mem>>) {add = true}
        } else {
        }
        %jit3A_107 = arith.constant 4 : i32
        %eq3A_108 = arith.constant 0 : i32
        %eq3A_109 = arith.cmpi eq, %jit3A_107, %eq3A_108 : i32
        %jit3A_110 = arith.constant 1 : i32
        %select_n3A_111 = arith.select %eq3A_109, %jit3A_110, %jit3A_107 : i32
        %rem3A_112 = arith.remsi %scan3A_91, %select_n3A_111 : i32
        %ne3A_113 = arith.constant 0 : i32
        %ne3A_114 = arith.cmpi ne, %rem3A_112, %ne3A_113 : i32
        %lt3A_115 = arith.constant 0 : i32
        %lt3A_116 = arith.cmpi slt, %rem3A_112, %lt3A_115 : i32
        %lt3A_117 = arith.constant 0 : i32
        %lt3A_118 = arith.cmpi slt, %select_n3A_111, %lt3A_117 : i32
        %ne3A_119 = arith.xori %lt3A_116, %lt3A_118 : i1
        %and3A_120 = arith.andi %ne3A_119, %ne3A_114 : i1
        %add3A_121 = arith.addi %rem3A_112, %select_n3A_111 : i32
        %select_n3A_122 = arith.select %and3A_120, %add3A_121, %rem3A_112 : i32
        %eq3A_123 = arith.constant 1 : i32
        %eq3A_124 = arith.cmpi eq, %select_n3A_122, %eq3A_123 : i32
        %convert_element_type3A_125 = arith.extui %eq3A_124 : i1 to i32
        %cond3A_126 = arith.constant 0 : i32
        %cond3A_127 = arith.cmpi ne, %convert_element_type3A_125, %cond3A_126 : i32
        scf.if %cond3A_127 {
          %dma_wait3A_170 = arith.constant 0 : i32
          %dma_wait3A_171 = tpu.memref_slice %arg8[%dma_wait3A_170] : memref<2000xi32, #tpu.memory_space<vmem>> -> memref<80xi32, #tpu.memory_space<vmem>>
          %dma_wait3A_172 = arith.constant 0 : i32
          %dma_wait3A_173 = arith.constant 0 : i32
          %dma_wait3A_174 = tpu.memref_slice %arg2[%dma_wait3A_172, %dma_wait3A_173] : memref<20000x128xf32, #tpu.memory_space<hbm>> -> memref<20000x128xf32, #tpu.memory_space<hbm>>
          tpu.wait_indirect_dma semaphore(%arg14 : memref<!tpu.dma_semaphore, #tpu.memory_space<semaphore_mem>>) src(%dma_wait3A_174 : memref<20000x128xf32, #tpu.memory_space<hbm>>) dst(%arg11 : memref<80x128xf32, #tpu.memory_space<vmem>>)
          %add3A_175 = arith.constant 2 : i32
          %add3A_176 = arith.addi %scan3A_91, %add3A_175 : i32
          %lt3A_177 = arith.constant 25 : i32
          %lt3A_178 = arith.cmpi slt, %add3A_176, %lt3A_177 : i32
          %convert_element_type3A_179 = arith.extui %lt3A_178 : i1 to i32
          %cond3A_180 = arith.constant 0 : i32
          %cond3A_181 = arith.cmpi ne, %convert_element_type3A_179, %cond3A_180 : i32
          scf.if %cond3A_181 {
            %ge3A = arith.constant 2 : i32
            %ge3A_188 = arith.cmpi sge, %scan3A_91, %ge3A : i32
            %convert_element_type3A_189 = arith.extui %ge3A_188 : i1 to i32
            %cond3A_190 = arith.constant 0 : i32
            %cond3A_191 = arith.cmpi ne, %convert_element_type3A_189, %cond3A_190 : i32
            scf.if %cond3A_191 {
              %dma_wait3A_200 = arith.constant 0 : i32
              %dma_wait3A_201 = arith.constant 0 : i32
              %dma_wait3A_202 = tpu.memref_slice %arg9[%dma_wait3A_200, %dma_wait3A_201] : memref<25x80xi32, #tpu.memory_space<vmem>> -> memref<1x80xi32, #tpu.memory_space<vmem>>
              %dma_wait3A_203 = tpu.memref_squeeze %dma_wait3A_202 : memref<1x80xi32, #tpu.memory_space<vmem>> -> memref<80xi32, #tpu.memory_space<vmem>>
              %dma_wait3A_204 = arith.constant 0 : i32
              %dma_wait3A_205 = arith.constant 0 : i32
              %dma_wait3A_206 = tpu.memref_slice %arg7[%dma_wait3A_204, %dma_wait3A_205] : memref<10240x128xf32, #tpu.memory_space<vmem_shared>> -> memref<10240x128xf32, #tpu.memory_space<vmem_shared>>
              tpu.wait_indirect_dma semaphore(%arg15 : memref<!tpu.dma_semaphore, #tpu.memory_space<semaphore_mem>>) src(%arg10 : memref<80x128xf32, #tpu.memory_space<vmem>>) dst(%dma_wait3A_206 : memref<10240x128xf32, #tpu.memory_space<vmem_shared>>)
            } else {
            }
            %add3A_192 = arith.constant 2 : i32
            %add3A_193 = arith.addi %scan3A_91, %add3A_192 : i32
            %mul3A_194 = arith.constant 80 : i32
            %mul3A_195 = arith.muli %add3A_193, %mul3A_194 : i32
            %dma_start3A_196 = tpu.memref_slice %arg8[%mul3A_195] : memref<2000xi32, #tpu.memory_space<vmem>> -> memref<80xi32, #tpu.memory_space<vmem>>
            %dma_start3A_197 = arith.constant 0 : i32
            %dma_start3A_198 = arith.constant 0 : i32
            %dma_start3A_199 = tpu.memref_slice %arg2[%dma_start3A_197, %dma_start3A_198] : memref<20000x128xf32, #tpu.memory_space<hbm>> -> memref<20000x128xf32, #tpu.memory_space<hbm>>
            tpu.enqueue_indirect_dma source(%dma_start3A_199 : memref<20000x128xf32, #tpu.memory_space<hbm>>) target(%arg13 : memref<80x128xf32, #tpu.memory_space<vmem>>) offsets(%dma_start3A_196 : memref<80xi32, #tpu.memory_space<vmem>>) semaphore(%arg14 : memref<!tpu.dma_semaphore, #tpu.memory_space<semaphore_mem>>)
          } else {
          }
          %dma_start3A_182 = arith.constant 0 : i32
          %dma_start3A_183 = tpu.memref_slice %arg9[%scan3A_91, %dma_start3A_182] : memref<25x80xi32, #tpu.memory_space<vmem>> -> memref<1x80xi32, #tpu.memory_space<vmem>>
          %dma_start3A_184 = tpu.memref_squeeze %dma_start3A_183 : memref<1x80xi32, #tpu.memory_space<vmem>> -> memref<80xi32, #tpu.memory_space<vmem>>
          %dma_start3A_185 = arith.constant 0 : i32
          %dma_start3A_186 = arith.constant 0 : i32
          %dma_start3A_187 = tpu.memref_slice %arg7[%dma_start3A_185, %dma_start3A_186] : memref<10240x128xf32, #tpu.memory_space<vmem_shared>> -> memref<10240x128xf32, #tpu.memory_space<vmem_shared>>
          tpu.enqueue_indirect_dma source(%arg11 : memref<80x128xf32, #tpu.memory_space<vmem>>) target(%dma_start3A_187 : memref<10240x128xf32, #tpu.memory_space<vmem_shared>>) offsets(%dma_start3A_184 : memref<80xi32, #tpu.memory_space<vmem>>) semaphore(%arg15 : memref<!tpu.dma_semaphore, #tpu.memory_space<semaphore_mem>>) {add = true}
        } else {
        }
        %jit3A_128 = arith.constant 4 : i32
        %eq3A_129 = arith.constant 0 : i32
        %eq3A_130 = arith.cmpi eq, %jit3A_128, %eq3A_129 : i32
        %jit3A_131 = arith.constant 1 : i32
        %select_n3A_132 = arith.select %eq3A_130, %jit3A_131, %jit3A_128 : i32
        %rem3A_133 = arith.remsi %scan3A_91, %select_n3A_132 : i32
        %ne3A_134 = arith.constant 0 : i32
        %ne3A_135 = arith.cmpi ne, %rem3A_133, %ne3A_134 : i32
        %lt3A_136 = arith.constant 0 : i32
        %lt3A_137 = arith.cmpi slt, %rem3A_133, %lt3A_136 : i32
        %lt3A_138 = arith.constant 0 : i32
        %lt3A_139 = arith.cmpi slt, %select_n3A_132, %lt3A_138 : i32
        %ne3A_140 = arith.xori %lt3A_137, %lt3A_139 : i1
        %and3A_141 = arith.andi %ne3A_140, %ne3A_135 : i1
        %add3A_142 = arith.addi %rem3A_133, %select_n3A_132 : i32
        %select_n3A_143 = arith.select %and3A_141, %add3A_142, %rem3A_133 : i32
        %eq3A_144 = arith.constant 2 : i32
        %eq3A_145 = arith.cmpi eq, %select_n3A_143, %eq3A_144 : i32
        %convert_element_type3A_146 = arith.extui %eq3A_145 : i1 to i32
        %cond3A_147 = arith.constant 0 : i32
        %cond3A_148 = arith.cmpi ne, %convert_element_type3A_146, %cond3A_147 : i32
        scf.if %cond3A_148 {
          %dma_wait3A_170 = arith.constant 0 : i32
          %dma_wait3A_171 = tpu.memref_slice %arg8[%dma_wait3A_170] : memref<2000xi32, #tpu.memory_space<vmem>> -> memref<80xi32, #tpu.memory_space<vmem>>
          %dma_wait3A_172 = arith.constant 0 : i32
          %dma_wait3A_173 = arith.constant 0 : i32
          %dma_wait3A_174 = tpu.memref_slice %arg2[%dma_wait3A_172, %dma_wait3A_173] : memref<20000x128xf32, #tpu.memory_space<hbm>> -> memref<20000x128xf32, #tpu.memory_space<hbm>>
          tpu.wait_indirect_dma semaphore(%arg14 : memref<!tpu.dma_semaphore, #tpu.memory_space<semaphore_mem>>) src(%dma_wait3A_174 : memref<20000x128xf32, #tpu.memory_space<hbm>>) dst(%arg12 : memref<80x128xf32, #tpu.memory_space<vmem>>)
          %add3A_175 = arith.constant 2 : i32
          %add3A_176 = arith.addi %scan3A_91, %add3A_175 : i32
          %lt3A_177 = arith.constant 25 : i32
          %lt3A_178 = arith.cmpi slt, %add3A_176, %lt3A_177 : i32
          %convert_element_type3A_179 = arith.extui %lt3A_178 : i1 to i32
          %cond3A_180 = arith.constant 0 : i32
          %cond3A_181 = arith.cmpi ne, %convert_element_type3A_179, %cond3A_180 : i32
          scf.if %cond3A_181 {
            %ge3A = arith.constant 2 : i32
            %ge3A_188 = arith.cmpi sge, %scan3A_91, %ge3A : i32
            %convert_element_type3A_189 = arith.extui %ge3A_188 : i1 to i32
            %cond3A_190 = arith.constant 0 : i32
            %cond3A_191 = arith.cmpi ne, %convert_element_type3A_189, %cond3A_190 : i32
            scf.if %cond3A_191 {
              %dma_wait3A_200 = arith.constant 0 : i32
              %dma_wait3A_201 = arith.constant 0 : i32
              %dma_wait3A_202 = tpu.memref_slice %arg9[%dma_wait3A_200, %dma_wait3A_201] : memref<25x80xi32, #tpu.memory_space<vmem>> -> memref<1x80xi32, #tpu.memory_space<vmem>>
              %dma_wait3A_203 = tpu.memref_squeeze %dma_wait3A_202 : memref<1x80xi32, #tpu.memory_space<vmem>> -> memref<80xi32, #tpu.memory_space<vmem>>
              %dma_wait3A_204 = arith.constant 0 : i32
              %dma_wait3A_205 = arith.constant 0 : i32
              %dma_wait3A_206 = tpu.memref_slice %arg7[%dma_wait3A_204, %dma_wait3A_205] : memref<10240x128xf32, #tpu.memory_space<vmem_shared>> -> memref<10240x128xf32, #tpu.memory_space<vmem_shared>>
              tpu.wait_indirect_dma semaphore(%arg15 : memref<!tpu.dma_semaphore, #tpu.memory_space<semaphore_mem>>) src(%arg10 : memref<80x128xf32, #tpu.memory_space<vmem>>) dst(%dma_wait3A_206 : memref<10240x128xf32, #tpu.memory_space<vmem_shared>>)
            } else {
            }
            %add3A_192 = arith.constant 2 : i32
            %add3A_193 = arith.addi %scan3A_91, %add3A_192 : i32
            %mul3A_194 = arith.constant 80 : i32
            %mul3A_195 = arith.muli %add3A_193, %mul3A_194 : i32
            %dma_start3A_196 = tpu.memref_slice %arg8[%mul3A_195] : memref<2000xi32, #tpu.memory_space<vmem>> -> memref<80xi32, #tpu.memory_space<vmem>>
            %dma_start3A_197 = arith.constant 0 : i32
            %dma_start3A_198 = arith.constant 0 : i32
            %dma_start3A_199 = tpu.memref_slice %arg2[%dma_start3A_197, %dma_start3A_198] : memref<20000x128xf32, #tpu.memory_space<hbm>> -> memref<20000x128xf32, #tpu.memory_space<hbm>>
            tpu.enqueue_indirect_dma source(%dma_start3A_199 : memref<20000x128xf32, #tpu.memory_space<hbm>>) target(%arg10 : memref<80x128xf32, #tpu.memory_space<vmem>>) offsets(%dma_start3A_196 : memref<80xi32, #tpu.memory_space<vmem>>) semaphore(%arg14 : memref<!tpu.dma_semaphore, #tpu.memory_space<semaphore_mem>>)
          } else {
          }
          %dma_start3A_182 = arith.constant 0 : i32
          %dma_start3A_183 = tpu.memref_slice %arg9[%scan3A_91, %dma_start3A_182] : memref<25x80xi32, #tpu.memory_space<vmem>> -> memref<1x80xi32, #tpu.memory_space<vmem>>
          %dma_start3A_184 = tpu.memref_squeeze %dma_start3A_183 : memref<1x80xi32, #tpu.memory_space<vmem>> -> memref<80xi32, #tpu.memory_space<vmem>>
          %dma_start3A_185 = arith.constant 0 : i32
          %dma_start3A_186 = arith.constant 0 : i32
          %dma_start3A_187 = tpu.memref_slice %arg7[%dma_start3A_185, %dma_start3A_186] : memref<10240x128xf32, #tpu.memory_space<vmem_shared>> -> memref<10240x128xf32, #tpu.memory_space<vmem_shared>>
          tpu.enqueue_indirect_dma source(%arg12 : memref<80x128xf32, #tpu.memory_space<vmem>>) target(%dma_start3A_187 : memref<10240x128xf32, #tpu.memory_space<vmem_shared>>) offsets(%dma_start3A_184 : memref<80xi32, #tpu.memory_space<vmem>>) semaphore(%arg15 : memref<!tpu.dma_semaphore, #tpu.memory_space<semaphore_mem>>) {add = true}
        } else {
        }
        %jit3A_149 = arith.constant 4 : i32
        %eq3A_150 = arith.constant 0 : i32
        %eq3A_151 = arith.cmpi eq, %jit3A_149, %eq3A_150 : i32
        %jit3A_152 = arith.constant 1 : i32
        %select_n3A_153 = arith.select %eq3A_151, %jit3A_152, %jit3A_149 : i32
        %rem3A_154 = arith.remsi %scan3A_91, %select_n3A_153 : i32
        %ne3A_155 = arith.constant 0 : i32
        %ne3A_156 = arith.cmpi ne, %rem3A_154, %ne3A_155 : i32
        %lt3A_157 = arith.constant 0 : i32
        %lt3A_158 = arith.cmpi slt, %rem3A_154, %lt3A_157 : i32
        %lt3A_159 = arith.constant 0 : i32
        %lt3A_160 = arith.cmpi slt, %select_n3A_153, %lt3A_159 : i32
        %ne3A_161 = arith.xori %lt3A_158, %lt3A_160 : i1
        %and3A_162 = arith.andi %ne3A_161, %ne3A_156 : i1
        %add3A_163 = arith.addi %rem3A_154, %select_n3A_153 : i32
        %select_n3A_164 = arith.select %and3A_162, %add3A_163, %rem3A_154 : i32
        %eq3A_165 = arith.constant 3 : i32
        %eq3A_166 = arith.cmpi eq, %select_n3A_164, %eq3A_165 : i32
        %convert_element_type3A_167 = arith.extui %eq3A_166 : i1 to i32
        %cond3A_168 = arith.constant 0 : i32
        %cond3A_169 = arith.cmpi ne, %convert_element_type3A_167, %cond3A_168 : i32
        scf.if %cond3A_169 {
          %dma_wait3A_170 = arith.constant 0 : i32
          %dma_wait3A_171 = tpu.memref_slice %arg8[%dma_wait3A_170] : memref<2000xi32, #tpu.memory_space<vmem>> -> memref<80xi32, #tpu.memory_space<vmem>>
          %dma_wait3A_172 = arith.constant 0 : i32
          %dma_wait3A_173 = arith.constant 0 : i32
          %dma_wait3A_174 = tpu.memref_slice %arg2[%dma_wait3A_172, %dma_wait3A_173] : memref<20000x128xf32, #tpu.memory_space<hbm>> -> memref<20000x128xf32, #tpu.memory_space<hbm>>
          tpu.wait_indirect_dma semaphore(%arg14 : memref<!tpu.dma_semaphore, #tpu.memory_space<semaphore_mem>>) src(%dma_wait3A_174 : memref<20000x128xf32, #tpu.memory_space<hbm>>) dst(%arg13 : memref<80x128xf32, #tpu.memory_space<vmem>>)
          %add3A_175 = arith.constant 2 : i32
          %add3A_176 = arith.addi %scan3A_91, %add3A_175 : i32
          %lt3A_177 = arith.constant 25 : i32
          %lt3A_178 = arith.cmpi slt, %add3A_176, %lt3A_177 : i32
          %convert_element_type3A_179 = arith.extui %lt3A_178 : i1 to i32
          %cond3A_180 = arith.constant 0 : i32
          %cond3A_181 = arith.cmpi ne, %convert_element_type3A_179, %cond3A_180 : i32
          scf.if %cond3A_181 {
            %ge3A = arith.constant 2 : i32
            %ge3A_188 = arith.cmpi sge, %scan3A_91, %ge3A : i32
            %convert_element_type3A_189 = arith.extui %ge3A_188 : i1 to i32
            %cond3A_190 = arith.constant 0 : i32
            %cond3A_191 = arith.cmpi ne, %convert_element_type3A_189, %cond3A_190 : i32
            scf.if %cond3A_191 {
              %dma_wait3A_200 = arith.constant 0 : i32
              %dma_wait3A_201 = arith.constant 0 : i32
              %dma_wait3A_202 = tpu.memref_slice %arg9[%dma_wait3A_200, %dma_wait3A_201] : memref<25x80xi32, #tpu.memory_space<vmem>> -> memref<1x80xi32, #tpu.memory_space<vmem>>
              %dma_wait3A_203 = tpu.memref_squeeze %dma_wait3A_202 : memref<1x80xi32, #tpu.memory_space<vmem>> -> memref<80xi32, #tpu.memory_space<vmem>>
              %dma_wait3A_204 = arith.constant 0 : i32
              %dma_wait3A_205 = arith.constant 0 : i32
              %dma_wait3A_206 = tpu.memref_slice %arg7[%dma_wait3A_204, %dma_wait3A_205] : memref<10240x128xf32, #tpu.memory_space<vmem_shared>> -> memref<10240x128xf32, #tpu.memory_space<vmem_shared>>
              tpu.wait_indirect_dma semaphore(%arg15 : memref<!tpu.dma_semaphore, #tpu.memory_space<semaphore_mem>>) src(%arg10 : memref<80x128xf32, #tpu.memory_space<vmem>>) dst(%dma_wait3A_206 : memref<10240x128xf32, #tpu.memory_space<vmem_shared>>)
            } else {
            }
            %add3A_192 = arith.constant 2 : i32
            %add3A_193 = arith.addi %scan3A_91, %add3A_192 : i32
            %mul3A_194 = arith.constant 80 : i32
            %mul3A_195 = arith.muli %add3A_193, %mul3A_194 : i32
            %dma_start3A_196 = tpu.memref_slice %arg8[%mul3A_195] : memref<2000xi32, #tpu.memory_space<vmem>> -> memref<80xi32, #tpu.memory_space<vmem>>
            %dma_start3A_197 = arith.constant 0 : i32
            %dma_start3A_198 = arith.constant 0 : i32
            %dma_start3A_199 = tpu.memref_slice %arg2[%dma_start3A_197, %dma_start3A_198] : memref<20000x128xf32, #tpu.memory_space<hbm>> -> memref<20000x128xf32, #tpu.memory_space<hbm>>
            tpu.enqueue_indirect_dma source(%dma_start3A_199 : memref<20000x128xf32, #tpu.memory_space<hbm>>) target(%arg11 : memref<80x128xf32, #tpu.memory_space<vmem>>) offsets(%dma_start3A_196 : memref<80xi32, #tpu.memory_space<vmem>>) semaphore(%arg14 : memref<!tpu.dma_semaphore, #tpu.memory_space<semaphore_mem>>)
          } else {
          }
          %dma_start3A_182 = arith.constant 0 : i32
          %dma_start3A_183 = tpu.memref_slice %arg9[%scan3A_91, %dma_start3A_182] : memref<25x80xi32, #tpu.memory_space<vmem>> -> memref<1x80xi32, #tpu.memory_space<vmem>>
          %dma_start3A_184 = tpu.memref_squeeze %dma_start3A_183 : memref<1x80xi32, #tpu.memory_space<vmem>> -> memref<80xi32, #tpu.memory_space<vmem>>
          %dma_start3A_185 = arith.constant 0 : i32
          %dma_start3A_186 = arith.constant 0 : i32
          %dma_start3A_187 = tpu.memref_slice %arg7[%dma_start3A_185, %dma_start3A_186] : memref<10240x128xf32, #tpu.memory_space<vmem_shared>> -> memref<10240x128xf32, #tpu.memory_space<vmem_shared>>
          tpu.enqueue_indirect_dma source(%arg13 : memref<80x128xf32, #tpu.memory_space<vmem>>) target(%dma_start3A_187 : memref<10240x128xf32, #tpu.memory_space<vmem_shared>>) offsets(%dma_start3A_184 : memref<80xi32, #tpu.memory_space<vmem>>) semaphore(%arg15 : memref<!tpu.dma_semaphore, #tpu.memory_space<semaphore_mem>>) {add = true}
        } else {
        }
      }
      %scan3A_62 = arith.constant 25 : i32
      %dma_wait3A_63 = arith.constant 0 : i32
      %dma_wait3A_64 = arith.constant 0 : i32
      %dma_wait3A_65 = tpu.memref_slice %arg9[%dma_wait3A_63, %dma_wait3A_64] : memref<25x80xi32, #tpu.memory_space<vmem>> -> memref<1x80xi32, #tpu.memory_space<vmem>>
      %dma_wait3A_66 = tpu.memref_squeeze %dma_wait3A_65 : memref<1x80xi32, #tpu.memory_space<vmem>> -> memref<80xi32, #tpu.memory_space<vmem>>
      %dma_wait3A_67 = arith.constant 0 : i32
      %dma_wait3A_68 = arith.constant 0 : i32
      %dma_wait3A_69 = tpu.memref_slice %arg7[%dma_wait3A_67, %dma_wait3A_68] : memref<10240x128xf32, #tpu.memory_space<vmem_shared>> -> memref<10240x128xf32, #tpu.memory_space<vmem_shared>>
      tpu.wait_indirect_dma semaphore(%arg15 : memref<!tpu.dma_semaphore, #tpu.memory_space<semaphore_mem>>) src(%arg10 : memref<80x128xf32, #tpu.memory_space<vmem>>) dst(%dma_wait3A_69 : memref<10240x128xf32, #tpu.memory_space<vmem_shared>>)
      %dma_wait3A_70 = arith.constant 0 : i32
      %dma_wait3A_71 = arith.constant 0 : i32
      %dma_wait3A_72 = tpu.memref_slice %arg9[%dma_wait3A_70, %dma_wait3A_71] : memref<25x80xi32, #tpu.memory_space<vmem>> -> memref<1x80xi32, #tpu.memory_space<vmem>>
      %dma_wait3A_73 = tpu.memref_squeeze %dma_wait3A_72 : memref<1x80xi32, #tpu.memory_space<vmem>> -> memref<80xi32, #tpu.memory_space<vmem>>
      %dma_wait3A_74 = arith.constant 0 : i32
      %dma_wait3A_75 = arith.constant 0 : i32
      %dma_wait3A_76 = tpu.memref_slice %arg7[%dma_wait3A_74, %dma_wait3A_75] : memref<10240x128xf32, #tpu.memory_space<vmem_shared>> -> memref<10240x128xf32, #tpu.memory_space<vmem_shared>>
      tpu.wait_indirect_dma semaphore(%arg15 : memref<!tpu.dma_semaphore, #tpu.memory_space<semaphore_mem>>) src(%arg10 : memref<80x128xf32, #tpu.memory_space<vmem>>) dst(%dma_wait3A_76 : memref<10240x128xf32, #tpu.memory_space<vmem_shared>>)
      %dma_wait3A_77 = arith.constant 0 : i32
      %dma_wait3A_78 = arith.constant 0 : i32
      %dma_wait3A_79 = tpu.memref_slice %arg9[%dma_wait3A_77, %dma_wait3A_78] : memref<25x80xi32, #tpu.memory_space<vmem>> -> memref<1x80xi32, #tpu.memory_space<vmem>>
      %dma_wait3A_80 = tpu.memref_squeeze %dma_wait3A_79 : memref<1x80xi32, #tpu.memory_space<vmem>> -> memref<80xi32, #tpu.memory_space<vmem>>
      %dma_wait3A_81 = arith.constant 0 : i32
      %dma_wait3A_82 = arith.constant 0 : i32
      %dma_wait3A_83 = tpu.memref_slice %arg7[%dma_wait3A_81, %dma_wait3A_82] : memref<10240x128xf32, #tpu.memory_space<vmem_shared>> -> memref<10240x128xf32, #tpu.memory_space<vmem_shared>>
      tpu.wait_indirect_dma semaphore(%arg15 : memref<!tpu.dma_semaphore, #tpu.memory_space<semaphore_mem>>) src(%arg10 : memref<80x128xf32, #tpu.memory_space<vmem>>) dst(%dma_wait3A_83 : memref<10240x128xf32, #tpu.memory_space<vmem_shared>>)
      %dma_wait3A_84 = arith.constant 0 : i32
      %dma_wait3A_85 = arith.constant 0 : i32
      %dma_wait3A_86 = tpu.memref_slice %arg9[%dma_wait3A_84, %dma_wait3A_85] : memref<25x80xi32, #tpu.memory_space<vmem>> -> memref<1x80xi32, #tpu.memory_space<vmem>>
      %dma_wait3A_87 = tpu.memref_squeeze %dma_wait3A_86 : memref<1x80xi32, #tpu.memory_space<vmem>> -> memref<80xi32, #tpu.memory_space<vmem>>
      %dma_wait3A_88 = arith.constant 0 : i32
      %dma_wait3A_89 = arith.constant 0 : i32
      %dma_wait3A_90 = tpu.memref_slice %arg7[%dma_wait3A_88, %dma_wait3A_89] : memref<10240x128xf32, #tpu.memory_space<vmem_shared>> -> memref<10240x128xf32, #tpu.memory_space<vmem_shared>>
      tpu.wait_indirect_dma semaphore(%arg15 : memref<!tpu.dma_semaphore, #tpu.memory_space<semaphore_mem>>) src(%arg10 : memref<80x128xf32, #tpu.memory_space<vmem>>) dst(%dma_wait3A_90 : memref<10240x128xf32, #tpu.memory_space<vmem_shared>>)
    }
    %scan3A_6 = arith.constant 10 : i32
    %barrier3A = arith.constant 0 : index
    tpu.barrier barrier_id(%barrier3A)
    %mul3A_7 = arith.constant 640 : i32
    %mul3A_8 = arith.muli %arg1, %mul3A_7 : i32
    %mul3A_9 = arith.constant 640 : i32
    %mul3A_10 = arith.muli %arg1, %mul3A_9 : i32
    "tpu.region"() ({
      %run_scoped3A = tpu.sem_alloc : memref<!tpu.dma_semaphore, #tpu.memory_space<semaphore_mem>>
      %dma_start3A_11 = arith.constant 0 : i32
      %dma_start3A_12 = tpu.memref_slice %arg6[%arg0, %mul3A_10, %dma_start3A_11] : memref<2x10240x128xf32, #tpu.memory_space<hbm>> -> memref<1x640x128xf32, #tpu.memory_space<hbm>>
      %dma_start3A_13 = tpu.memref_squeeze %dma_start3A_12 : memref<1x640x128xf32, #tpu.memory_space<hbm>> -> memref<640x128xf32, #tpu.memory_space<hbm>>
      %dma_start3A_14 = arith.constant 0 : i32
      %dma_start3A_15 = tpu.memref_slice %arg7[%mul3A_8, %dma_start3A_14] : memref<10240x128xf32, #tpu.memory_space<vmem_shared>> -> memref<640x128xf32, #tpu.memory_space<vmem_shared>>
      tpu.enqueue_dma source(%dma_start3A_15 : memref<640x128xf32, #tpu.memory_space<vmem_shared>>) target(%dma_start3A_13 : memref<640x128xf32, #tpu.memory_space<hbm>>) target_semaphore(%run_scoped3A : memref<!tpu.dma_semaphore, #tpu.memory_space<semaphore_mem>>)
      %dma_wait3A = arith.constant 0 : i32
      %dma_wait3A_16 = tpu.memref_slice %arg6[%arg0, %mul3A_10, %dma_wait3A] : memref<2x10240x128xf32, #tpu.memory_space<hbm>> -> memref<1x640x128xf32, #tpu.memory_space<hbm>>
      %dma_wait3A_17 = tpu.memref_squeeze %dma_wait3A_16 : memref<1x640x128xf32, #tpu.memory_space<hbm>> -> memref<640x128xf32, #tpu.memory_space<hbm>>
      %dma_wait3A_18 = arith.constant 0 : i32
      %dma_wait3A_19 = tpu.memref_slice %arg7[%mul3A_8, %dma_wait3A_18] : memref<10240x128xf32, #tpu.memory_space<vmem_shared>> -> memref<640x128xf32, #tpu.memory_space<vmem_shared>>
      tpu.wait_dma2 semaphore(%run_scoped3A : memref<!tpu.dma_semaphore, #tpu.memory_space<semaphore_mem>>) src(%dma_wait3A_19 : memref<640x128xf32, #tpu.memory_space<vmem_shared>>) dst(%dma_wait3A_17 : memref<640x128xf32, #tpu.memory_space<hbm>>)
      tpu.yield
    }) : () -> ()
    return
  }
}

#map = affine_map<(d0, d1) -> (0, 0, 0)>
#map1 = affine_map<(d0, d1) -> (0, 0)>
module attributes {stable_mosaic.version = 14 : i64} {
  func.func @_deg_kernel(%arg0: i32, %arg1: i32, %arg2: memref<32x125x80xi32, #tpu.memory_space<hbm>>, %arg3: memref<80x128xf32, #tpu.memory_space<hbm>>, %arg4: memref<640x128xf32, #tpu.memory_space<hbm>>, %arg5: memref<2x10240x128xf32, #tpu.memory_space<hbm>>, %arg6: memref<10240x128xf32, #tpu.memory_space<vmem_shared>>, %arg7: memref<125x80xi32, #tpu.memory_space<vmem>>, %arg8: memref<80x128xf32, #tpu.memory_space<vmem>>, %arg9: memref<!tpu.dma_semaphore, #tpu.memory_space<semaphore_mem>>) attributes {dimension_semantics = [#tpu.dimension_semantics<core_parallel>, #tpu.dimension_semantics<subcore_parallel>], iteration_bounds = array<i64: 2, 16>, scalar_prefetch = 0 : i64, scratch_operands = 4 : i64, tpu.core_type = #tpu.core_type<sc_vector_subcore>, window_params = [{transform_indices = #map}, {transform_indices = #map1}, {transform_indices = #map1}, {transform_indices = #map}]} {
    %mul3A = arith.constant 640 : i32
    %mul3A_0 = arith.muli %arg1, %mul3A : i32
    %dma_start3A = arith.constant 0 : i32
    %dma_start3A_1 = tpu.memref_slice %arg6[%mul3A_0, %dma_start3A] : memref<10240x128xf32, #tpu.memory_space<vmem_shared>> -> memref<640x128xf32, #tpu.memory_space<vmem_shared>>
    tpu.enqueue_dma source(%arg4 : memref<640x128xf32, #tpu.memory_space<hbm>>) target(%dma_start3A_1 : memref<640x128xf32, #tpu.memory_space<vmem_shared>>) target_semaphore(%arg9 : memref<!tpu.dma_semaphore, #tpu.memory_space<semaphore_mem>>)
    tpu.enqueue_dma source(%arg3 : memref<80x128xf32, #tpu.memory_space<hbm>>) target(%arg8 : memref<80x128xf32, #tpu.memory_space<vmem>>) target_semaphore(%arg9 : memref<!tpu.dma_semaphore, #tpu.memory_space<semaphore_mem>>)
    %mul3A_2 = arith.constant 16 : i32
    %mul3A_3 = arith.muli %arg0, %mul3A_2 : i32
    %add3A = arith.addi %mul3A_3, %arg1 : i32
    %dma_start3A_4 = arith.constant 0 : i32
    %dma_start3A_5 = arith.constant 0 : i32
    %dma_start3A_6 = tpu.memref_slice %arg2[%add3A, %dma_start3A_4, %dma_start3A_5] : memref<32x125x80xi32, #tpu.memory_space<hbm>> -> memref<1x125x80xi32, #tpu.memory_space<hbm>>
    %dma_start3A_7 = tpu.memref_squeeze %dma_start3A_6 : memref<1x125x80xi32, #tpu.memory_space<hbm>> -> memref<125x80xi32, #tpu.memory_space<hbm>>
    %dma_start3A_8 = arith.constant 0 : i32
    %dma_start3A_9 = arith.constant 0 : i32
    %dma_start3A_10 = tpu.memref_slice %arg2[%add3A, %dma_start3A_8, %dma_start3A_9] : memref<32x125x80xi32, #tpu.memory_space<hbm>> -> memref<1x125x80xi32, #tpu.memory_space<hbm>>
    %dma_start3A_11 = tpu.memref_squeeze %dma_start3A_10 : memref<1x125x80xi32, #tpu.memory_space<hbm>> -> memref<125x80xi32, #tpu.memory_space<hbm>>
    tpu.enqueue_dma source(%dma_start3A_11 : memref<125x80xi32, #tpu.memory_space<hbm>>) target(%arg7 : memref<125x80xi32, #tpu.memory_space<vmem>>) target_semaphore(%arg9 : memref<!tpu.dma_semaphore, #tpu.memory_space<semaphore_mem>>)
    %dma_wait3A = arith.constant 0 : i32
    %dma_wait3A_12 = arith.constant 0 : i32
    %dma_wait3A_13 = tpu.memref_slice %arg6[%dma_wait3A, %dma_wait3A_12] : memref<10240x128xf32, #tpu.memory_space<vmem_shared>> -> memref<640x128xf32, #tpu.memory_space<vmem_shared>>
    tpu.wait_dma2 semaphore(%arg9 : memref<!tpu.dma_semaphore, #tpu.memory_space<semaphore_mem>>) src(%arg4 : memref<640x128xf32, #tpu.memory_space<hbm>>) dst(%dma_wait3A_13 : memref<640x128xf32, #tpu.memory_space<vmem_shared>>)
    tpu.wait_dma2 semaphore(%arg9 : memref<!tpu.dma_semaphore, #tpu.memory_space<semaphore_mem>>) src(%arg3 : memref<80x128xf32, #tpu.memory_space<hbm>>) dst(%arg8 : memref<80x128xf32, #tpu.memory_space<vmem>>)
    %dma_wait3A_14 = arith.constant 0 : i32
    %dma_wait3A_15 = arith.constant 0 : i32
    %dma_wait3A_16 = arith.constant 0 : i32
    %dma_wait3A_17 = tpu.memref_slice %arg2[%dma_wait3A_14, %dma_wait3A_15, %dma_wait3A_16] : memref<32x125x80xi32, #tpu.memory_space<hbm>> -> memref<1x125x80xi32, #tpu.memory_space<hbm>>
    %dma_wait3A_18 = tpu.memref_squeeze %dma_wait3A_17 : memref<1x125x80xi32, #tpu.memory_space<hbm>> -> memref<125x80xi32, #tpu.memory_space<hbm>>
    %dma_wait3A_19 = arith.constant 0 : i32
    %dma_wait3A_20 = arith.constant 0 : i32
    %dma_wait3A_21 = tpu.memref_slice %arg2[%dma_wait3A_14, %dma_wait3A_19, %dma_wait3A_20] : memref<32x125x80xi32, #tpu.memory_space<hbm>> -> memref<1x125x80xi32, #tpu.memory_space<hbm>>
    %dma_wait3A_22 = tpu.memref_squeeze %dma_wait3A_21 : memref<1x125x80xi32, #tpu.memory_space<hbm>> -> memref<125x80xi32, #tpu.memory_space<hbm>>
    tpu.wait_dma2 semaphore(%arg9 : memref<!tpu.dma_semaphore, #tpu.memory_space<semaphore_mem>>) src(%dma_wait3A_22 : memref<125x80xi32, #tpu.memory_space<hbm>>) dst(%arg7 : memref<125x80xi32, #tpu.memory_space<vmem>>)
    %barrier3A = arith.constant 0 : index
    tpu.barrier barrier_id(%barrier3A)
    %scan3A = arith.constant 0 : i32
    %scan3A_23 = arith.constant 0 : i32
    %scan3A_24 = arith.constant 125 : i32
    %scan3A_25 = arith.addi %scan3A_23, %scan3A_24 : i32
    %scan3A_26 = arith.constant 1 : i32
    scf.for %scan3A_61 = %scan3A_23 to %scan3A_25 step %scan3A_26  : i32 {
      %dma_start3A_62 = arith.constant 0 : i32
      %dma_start3A_63 = tpu.memref_slice %arg7[%scan3A_61, %dma_start3A_62] : memref<125x80xi32, #tpu.memory_space<vmem>> -> memref<1x80xi32, #tpu.memory_space<vmem>>
      %dma_start3A_64 = tpu.memref_squeeze %dma_start3A_63 : memref<1x80xi32, #tpu.memory_space<vmem>> -> memref<80xi32, #tpu.memory_space<vmem>>
      %dma_start3A_65 = arith.constant 0 : i32
      %dma_start3A_66 = arith.constant 0 : i32
      %dma_start3A_67 = tpu.memref_slice %arg6[%dma_start3A_65, %dma_start3A_66] : memref<10240x128xf32, #tpu.memory_space<vmem_shared>> -> memref<10240x128xf32, #tpu.memory_space<vmem_shared>>
      tpu.enqueue_indirect_dma source(%arg8 : memref<80x128xf32, #tpu.memory_space<vmem>>) target(%dma_start3A_67 : memref<10240x128xf32, #tpu.memory_space<vmem_shared>>) offsets(%dma_start3A_64 : memref<80xi32, #tpu.memory_space<vmem>>) semaphore(%arg9 : memref<!tpu.dma_semaphore, #tpu.memory_space<semaphore_mem>>) {add = true}
      %ge3A = arith.constant 4 : i32
      %ge3A_68 = arith.cmpi sge, %scan3A_61, %ge3A : i32
      %convert_element_type3A = arith.extui %ge3A_68 : i1 to i32
      %cond3A = arith.constant 0 : i32
      %cond3A_69 = arith.cmpi ne, %convert_element_type3A, %cond3A : i32
      scf.if %cond3A_69 {
        %dma_wait3A_70 = arith.constant 0 : i32
        %dma_wait3A_71 = arith.constant 0 : i32
        %dma_wait3A_72 = tpu.memref_slice %arg7[%dma_wait3A_70, %dma_wait3A_71] : memref<125x80xi32, #tpu.memory_space<vmem>> -> memref<1x80xi32, #tpu.memory_space<vmem>>
        %dma_wait3A_73 = tpu.memref_squeeze %dma_wait3A_72 : memref<1x80xi32, #tpu.memory_space<vmem>> -> memref<80xi32, #tpu.memory_space<vmem>>
        %dma_wait3A_74 = arith.constant 0 : i32
        %dma_wait3A_75 = arith.constant 0 : i32
        %dma_wait3A_76 = tpu.memref_slice %arg6[%dma_wait3A_74, %dma_wait3A_75] : memref<10240x128xf32, #tpu.memory_space<vmem_shared>> -> memref<10240x128xf32, #tpu.memory_space<vmem_shared>>
        tpu.wait_indirect_dma semaphore(%arg9 : memref<!tpu.dma_semaphore, #tpu.memory_space<semaphore_mem>>) src(%arg8 : memref<80x128xf32, #tpu.memory_space<vmem>>) dst(%dma_wait3A_76 : memref<10240x128xf32, #tpu.memory_space<vmem_shared>>)
      } else {
      }
    }
    %scan3A_27 = arith.constant 125 : i32
    %dma_wait3A_28 = arith.constant 0 : i32
    %dma_wait3A_29 = arith.constant 0 : i32
    %dma_wait3A_30 = tpu.memref_slice %arg7[%dma_wait3A_28, %dma_wait3A_29] : memref<125x80xi32, #tpu.memory_space<vmem>> -> memref<1x80xi32, #tpu.memory_space<vmem>>
    %dma_wait3A_31 = tpu.memref_squeeze %dma_wait3A_30 : memref<1x80xi32, #tpu.memory_space<vmem>> -> memref<80xi32, #tpu.memory_space<vmem>>
    %dma_wait3A_32 = arith.constant 0 : i32
    %dma_wait3A_33 = arith.constant 0 : i32
    %dma_wait3A_34 = tpu.memref_slice %arg6[%dma_wait3A_32, %dma_wait3A_33] : memref<10240x128xf32, #tpu.memory_space<vmem_shared>> -> memref<10240x128xf32, #tpu.memory_space<vmem_shared>>
    tpu.wait_indirect_dma semaphore(%arg9 : memref<!tpu.dma_semaphore, #tpu.memory_space<semaphore_mem>>) src(%arg8 : memref<80x128xf32, #tpu.memory_space<vmem>>) dst(%dma_wait3A_34 : memref<10240x128xf32, #tpu.memory_space<vmem_shared>>)
    %dma_wait3A_35 = arith.constant 0 : i32
    %dma_wait3A_36 = arith.constant 0 : i32
    %dma_wait3A_37 = tpu.memref_slice %arg7[%dma_wait3A_35, %dma_wait3A_36] : memref<125x80xi32, #tpu.memory_space<vmem>> -> memref<1x80xi32, #tpu.memory_space<vmem>>
    %dma_wait3A_38 = tpu.memref_squeeze %dma_wait3A_37 : memref<1x80xi32, #tpu.memory_space<vmem>> -> memref<80xi32, #tpu.memory_space<vmem>>
    %dma_wait3A_39 = arith.constant 0 : i32
    %dma_wait3A_40 = arith.constant 0 : i32
    %dma_wait3A_41 = tpu.memref_slice %arg6[%dma_wait3A_39, %dma_wait3A_40] : memref<10240x128xf32, #tpu.memory_space<vmem_shared>> -> memref<10240x128xf32, #tpu.memory_space<vmem_shared>>
    tpu.wait_indirect_dma semaphore(%arg9 : memref<!tpu.dma_semaphore, #tpu.memory_space<semaphore_mem>>) src(%arg8 : memref<80x128xf32, #tpu.memory_space<vmem>>) dst(%dma_wait3A_41 : memref<10240x128xf32, #tpu.memory_space<vmem_shared>>)
    %dma_wait3A_42 = arith.constant 0 : i32
    %dma_wait3A_43 = arith.constant 0 : i32
    %dma_wait3A_44 = tpu.memref_slice %arg7[%dma_wait3A_42, %dma_wait3A_43] : memref<125x80xi32, #tpu.memory_space<vmem>> -> memref<1x80xi32, #tpu.memory_space<vmem>>
    %dma_wait3A_45 = tpu.memref_squeeze %dma_wait3A_44 : memref<1x80xi32, #tpu.memory_space<vmem>> -> memref<80xi32, #tpu.memory_space<vmem>>
    %dma_wait3A_46 = arith.constant 0 : i32
    %dma_wait3A_47 = arith.constant 0 : i32
    %dma_wait3A_48 = tpu.memref_slice %arg6[%dma_wait3A_46, %dma_wait3A_47] : memref<10240x128xf32, #tpu.memory_space<vmem_shared>> -> memref<10240x128xf32, #tpu.memory_space<vmem_shared>>
    tpu.wait_indirect_dma semaphore(%arg9 : memref<!tpu.dma_semaphore, #tpu.memory_space<semaphore_mem>>) src(%arg8 : memref<80x128xf32, #tpu.memory_space<vmem>>) dst(%dma_wait3A_48 : memref<10240x128xf32, #tpu.memory_space<vmem_shared>>)
    %dma_wait3A_49 = arith.constant 0 : i32
    %dma_wait3A_50 = arith.constant 0 : i32
    %dma_wait3A_51 = tpu.memref_slice %arg7[%dma_wait3A_49, %dma_wait3A_50] : memref<125x80xi32, #tpu.memory_space<vmem>> -> memref<1x80xi32, #tpu.memory_space<vmem>>
    %dma_wait3A_52 = tpu.memref_squeeze %dma_wait3A_51 : memref<1x80xi32, #tpu.memory_space<vmem>> -> memref<80xi32, #tpu.memory_space<vmem>>
    %dma_wait3A_53 = arith.constant 0 : i32
    %dma_wait3A_54 = arith.constant 0 : i32
    %dma_wait3A_55 = tpu.memref_slice %arg6[%dma_wait3A_53, %dma_wait3A_54] : memref<10240x128xf32, #tpu.memory_space<vmem_shared>> -> memref<10240x128xf32, #tpu.memory_space<vmem_shared>>
    tpu.wait_indirect_dma semaphore(%arg9 : memref<!tpu.dma_semaphore, #tpu.memory_space<semaphore_mem>>) src(%arg8 : memref<80x128xf32, #tpu.memory_space<vmem>>) dst(%dma_wait3A_55 : memref<10240x128xf32, #tpu.memory_space<vmem_shared>>)
    %barrier3A_56 = arith.constant 0 : index
    tpu.barrier barrier_id(%barrier3A_56)
    %mul3A_57 = arith.constant 640 : i32
    %mul3A_58 = arith.muli %arg1, %mul3A_57 : i32
    %mul3A_59 = arith.constant 640 : i32
    %mul3A_60 = arith.muli %arg1, %mul3A_59 : i32
    "tpu.region"() ({
      %run_scoped3A = tpu.sem_alloc : memref<!tpu.dma_semaphore, #tpu.memory_space<semaphore_mem>>
      %dma_start3A_61 = arith.constant 0 : i32
      %dma_start3A_62 = tpu.memref_slice %arg5[%arg0, %mul3A_60, %dma_start3A_61] : memref<2x10240x128xf32, #tpu.memory_space<hbm>> -> memref<1x640x128xf32, #tpu.memory_space<hbm>>
      %dma_start3A_63 = tpu.memref_squeeze %dma_start3A_62 : memref<1x640x128xf32, #tpu.memory_space<hbm>> -> memref<640x128xf32, #tpu.memory_space<hbm>>
      %dma_start3A_64 = arith.constant 0 : i32
      %dma_start3A_65 = tpu.memref_slice %arg6[%mul3A_58, %dma_start3A_64] : memref<10240x128xf32, #tpu.memory_space<vmem_shared>> -> memref<640x128xf32, #tpu.memory_space<vmem_shared>>
      tpu.enqueue_dma source(%dma_start3A_65 : memref<640x128xf32, #tpu.memory_space<vmem_shared>>) target(%dma_start3A_63 : memref<640x128xf32, #tpu.memory_space<hbm>>) target_semaphore(%run_scoped3A : memref<!tpu.dma_semaphore, #tpu.memory_space<semaphore_mem>>)
      %dma_wait3A_66 = arith.constant 0 : i32
      %dma_wait3A_67 = tpu.memref_slice %arg5[%arg0, %mul3A_60, %dma_wait3A_66] : memref<2x10240x128xf32, #tpu.memory_space<hbm>> -> memref<1x640x128xf32, #tpu.memory_space<hbm>>
      %dma_wait3A_68 = tpu.memref_squeeze %dma_wait3A_67 : memref<1x640x128xf32, #tpu.memory_space<hbm>> -> memref<640x128xf32, #tpu.memory_space<hbm>>
      %dma_wait3A_69 = arith.constant 0 : i32
      %dma_wait3A_70 = tpu.memref_slice %arg6[%mul3A_58, %dma_wait3A_69] : memref<10240x128xf32, #tpu.memory_space<vmem_shared>> -> memref<640x128xf32, #tpu.memory_space<vmem_shared>>
      tpu.wait_dma2 semaphore(%run_scoped3A : memref<!tpu.dma_semaphore, #tpu.memory_space<semaphore_mem>>) src(%dma_wait3A_70 : memref<640x128xf32, #tpu.memory_space<vmem_shared>>) dst(%dma_wait3A_68 : memref<640x128xf32, #tpu.memory_space<hbm>>)
      tpu.yield
    }) : () -> ()
    return
  }
}

#map = affine_map<(d0, d1) -> (0, 0)>
#map1 = affine_map<(d0, d1) -> (0)>
#map2 = affine_map<(d0, d1) -> (0, 0, 0, 0)>
#map3 = affine_map<(d0, d1) -> (0, 0, 0)>
module attributes {stable_mosaic.version = 14 : i64} {
  func.func @agg(%arg0: i32, %arg1: i32, %arg2: memref<10000x128xf32, #tpu.memory_space<hbm>>, %arg3: memref<320000xi32, #tpu.memory_space<hbm>>, %arg4: memref<32x5x25x80xi32, #tpu.memory_space<hbm>>, %arg5: memref<640x128xf32, #tpu.memory_space<hbm>>, %arg6: memref<2x10240x128xf32, #tpu.memory_space<hbm>>, %arg7: memref<10240x128xf32, #tpu.memory_space<vmem_shared>>, %arg8: memref<2000xi32, #tpu.memory_space<vmem>>, %arg9: memref<25x80xi32, #tpu.memory_space<vmem>>, %arg10: memref<80x128xf32, #tpu.memory_space<vmem>>, %arg11: memref<80x128xf32, #tpu.memory_space<vmem>>, %arg12: memref<80x128xf32, #tpu.memory_space<vmem>>, %arg13: memref<80x128xf32, #tpu.memory_space<vmem>>, %arg14: memref<!tpu.dma_semaphore, #tpu.memory_space<semaphore_mem>>, %arg15: memref<!tpu.dma_semaphore, #tpu.memory_space<semaphore_mem>>) attributes {dimension_semantics = [#tpu.dimension_semantics<core_parallel>, #tpu.dimension_semantics<subcore_parallel>], iteration_bounds = array<i64: 2, 16>, scalar_prefetch = 0 : i64, scratch_operands = 9 : i64, tpu.core_type = #tpu.core_type<sc_vector_subcore>, window_params = [{transform_indices = #map}, {transform_indices = #map1}, {transform_indices = #map2}, {transform_indices = #map}, {transform_indices = #map3}]} {
    %mul3A = arith.constant 640 : i32
    %mul3A_0 = arith.muli %arg1, %mul3A : i32
    %dma_start3A = arith.constant 0 : i32
    %dma_start3A_1 = tpu.memref_slice %arg7[%mul3A_0, %dma_start3A] : memref<10240x128xf32, #tpu.memory_space<vmem_shared>> -> memref<640x128xf32, #tpu.memory_space<vmem_shared>>
    tpu.enqueue_dma source(%arg5 : memref<640x128xf32, #tpu.memory_space<hbm>>) target(%dma_start3A_1 : memref<640x128xf32, #tpu.memory_space<vmem_shared>>) target_semaphore(%arg15 : memref<!tpu.dma_semaphore, #tpu.memory_space<semaphore_mem>>)
    %mul3A_2 = arith.constant 16 : i32
    %mul3A_3 = arith.muli %arg0, %mul3A_2 : i32
    %add3A = arith.addi %mul3A_3, %arg1 : i32
    %scan3A = arith.constant 0 : i32
    %scan3A_4 = arith.constant 0 : i32
    %scan3A_5 = arith.constant 5 : i32
    %scan3A_6 = arith.addi %scan3A_4, %scan3A_5 : i32
    %scan3A_7 = arith.constant 1 : i32
    scf.for %scan3A_13 = %scan3A_4 to %scan3A_6 step %scan3A_7  : i32 {
      %mul3A_14 = arith.constant 10000 : i32
      %mul3A_15 = arith.muli %add3A, %mul3A_14 : i32
      %mul3A_16 = arith.constant 2000 : i32
      %mul3A_17 = arith.muli %scan3A_13, %mul3A_16 : i32
      %add3A_18 = arith.addi %mul3A_15, %mul3A_17 : i32
      %dma_start3A_19 = tpu.memref_slice %arg3[%add3A_18] : memref<320000xi32, #tpu.memory_space<hbm>> -> memref<2000xi32, #tpu.memory_space<hbm>>
      %dma_start3A_20 = tpu.memref_slice %arg3[%add3A_18] : memref<320000xi32, #tpu.memory_space<hbm>> -> memref<2000xi32, #tpu.memory_space<hbm>>
      tpu.enqueue_dma source(%dma_start3A_20 : memref<2000xi32, #tpu.memory_space<hbm>>) target(%arg8 : memref<2000xi32, #tpu.memory_space<vmem>>) target_semaphore(%arg14 : memref<!tpu.dma_semaphore, #tpu.memory_space<semaphore_mem>>)
      %dma_start3A_21 = arith.constant 0 : i32
      %dma_start3A_22 = arith.constant 0 : i32
      %dma_start3A_23 = tpu.memref_slice %arg4[%add3A, %scan3A_13, %dma_start3A_21, %dma_start3A_22] : memref<32x5x25x80xi32, #tpu.memory_space<hbm>> -> memref<1x1x25x80xi32, #tpu.memory_space<hbm>>
      %dma_start3A_24 = tpu.memref_squeeze %dma_start3A_23 : memref<1x1x25x80xi32, #tpu.memory_space<hbm>> -> memref<25x80xi32, #tpu.memory_space<hbm>>
      %dma_start3A_25 = arith.constant 0 : i32
      %dma_start3A_26 = arith.constant 0 : i32
      %dma_start3A_27 = tpu.memref_slice %arg4[%add3A, %scan3A_13, %dma_start3A_25, %dma_start3A_26] : memref<32x5x25x80xi32, #tpu.memory_space<hbm>> -> memref<1x1x25x80xi32, #tpu.memory_space<hbm>>
      %dma_start3A_28 = tpu.memref_squeeze %dma_start3A_27 : memref<1x1x25x80xi32, #tpu.memory_space<hbm>> -> memref<25x80xi32, #tpu.memory_space<hbm>>
      tpu.enqueue_dma source(%dma_start3A_28 : memref<25x80xi32, #tpu.memory_space<hbm>>) target(%arg9 : memref<25x80xi32, #tpu.memory_space<vmem>>) target_semaphore(%arg14 : memref<!tpu.dma_semaphore, #tpu.memory_space<semaphore_mem>>)
      %dma_wait3A = arith.constant 0 : i32
      %dma_wait3A_29 = tpu.memref_slice %arg3[%dma_wait3A] : memref<320000xi32, #tpu.memory_space<hbm>> -> memref<2000xi32, #tpu.memory_space<hbm>>
      %dma_wait3A_30 = arith.constant 0 : i32
      %dma_wait3A_31 = tpu.memref_slice %arg3[%dma_wait3A_30] : memref<320000xi32, #tpu.memory_space<hbm>> -> memref<2000xi32, #tpu.memory_space<hbm>>
      tpu.wait_dma2 semaphore(%arg14 : memref<!tpu.dma_semaphore, #tpu.memory_space<semaphore_mem>>) src(%dma_wait3A_31 : memref<2000xi32, #tpu.memory_space<hbm>>) dst(%arg8 : memref<2000xi32, #tpu.memory_space<vmem>>)
      %dma_wait3A_32 = arith.constant 0 : i32
      %dma_wait3A_33 = arith.constant 0 : i32
      %dma_wait3A_34 = arith.constant 0 : i32
      %dma_wait3A_35 = arith.constant 0 : i32
      %dma_wait3A_36 = tpu.memref_slice %arg4[%dma_wait3A_32, %dma_wait3A_33, %dma_wait3A_34, %dma_wait3A_35] : memref<32x5x25x80xi32, #tpu.memory_space<hbm>> -> memref<1x1x25x80xi32, #tpu.memory_space<hbm>>
      %dma_wait3A_37 = tpu.memref_squeeze %dma_wait3A_36 : memref<1x1x25x80xi32, #tpu.memory_space<hbm>> -> memref<25x80xi32, #tpu.memory_space<hbm>>
      %dma_wait3A_38 = arith.constant 0 : i32
      %dma_wait3A_39 = arith.constant 0 : i32
      %dma_wait3A_40 = tpu.memref_slice %arg4[%dma_wait3A_32, %dma_wait3A_33, %dma_wait3A_38, %dma_wait3A_39] : memref<32x5x25x80xi32, #tpu.memory_space<hbm>> -> memref<1x1x25x80xi32, #tpu.memory_space<hbm>>
      %dma_wait3A_41 = tpu.memref_squeeze %dma_wait3A_40 : memref<1x1x25x80xi32, #tpu.memory_space<hbm>> -> memref<25x80xi32, #tpu.memory_space<hbm>>
      tpu.wait_dma2 semaphore(%arg14 : memref<!tpu.dma_semaphore, #tpu.memory_space<semaphore_mem>>) src(%dma_wait3A_41 : memref<25x80xi32, #tpu.memory_space<hbm>>) dst(%arg9 : memref<25x80xi32, #tpu.memory_space<vmem>>)
      %eq3A = arith.constant 0 : i32
      %eq3A_42 = arith.cmpi eq, %scan3A_13, %eq3A : i32
      %convert_element_type3A = arith.extui %eq3A_42 : i1 to i32
      %cond3A = arith.constant 0 : i32
      %cond3A_43 = arith.cmpi ne, %convert_element_type3A, %cond3A : i32
      scf.if %cond3A_43 {
        %dma_wait3A_88 = arith.constant 0 : i32
        %dma_wait3A_89 = arith.constant 0 : i32
        %dma_wait3A_90 = tpu.memref_slice %arg7[%dma_wait3A_88, %dma_wait3A_89] : memref<10240x128xf32, #tpu.memory_space<vmem_shared>> -> memref<640x128xf32, #tpu.memory_space<vmem_shared>>
        tpu.wait_dma2 semaphore(%arg15 : memref<!tpu.dma_semaphore, #tpu.memory_space<semaphore_mem>>) src(%arg5 : memref<640x128xf32, #tpu.memory_space<hbm>>) dst(%dma_wait3A_90 : memref<640x128xf32, #tpu.memory_space<vmem_shared>>)
        %barrier3A_91 = arith.constant 0 : index
        tpu.barrier barrier_id(%barrier3A_91)
      } else {
      }
      %dma_start3A_44 = arith.constant 0 : i32
      %dma_start3A_45 = tpu.memref_slice %arg8[%dma_start3A_44] : memref<2000xi32, #tpu.memory_space<vmem>> -> memref<80xi32, #tpu.memory_space<vmem>>
      %dma_start3A_46 = arith.constant 0 : i32
      %dma_start3A_47 = arith.constant 0 : i32
      %dma_start3A_48 = tpu.memref_slice %arg2[%dma_start3A_46, %dma_start3A_47] : memref<10000x128xf32, #tpu.memory_space<hbm>> -> memref<10000x128xf32, #tpu.memory_space<hbm>>
      tpu.enqueue_indirect_dma source(%dma_start3A_48 : memref<10000x128xf32, #tpu.memory_space<hbm>>) target(%arg10 : memref<80x128xf32, #tpu.memory_space<vmem>>) offsets(%dma_start3A_45 : memref<80xi32, #tpu.memory_space<vmem>>) semaphore(%arg14 : memref<!tpu.dma_semaphore, #tpu.memory_space<semaphore_mem>>)
      %dma_start3A_49 = arith.constant 80 : i32
      %dma_start3A_50 = tpu.memref_slice %arg8[%dma_start3A_49] : memref<2000xi32, #tpu.memory_space<vmem>> -> memref<80xi32, #tpu.memory_space<vmem>>
      %dma_start3A_51 = arith.constant 0 : i32
      %dma_start3A_52 = arith.constant 0 : i32
      %dma_start3A_53 = tpu.memref_slice %arg2[%dma_start3A_51, %dma_start3A_52] : memref<10000x128xf32, #tpu.memory_space<hbm>> -> memref<10000x128xf32, #tpu.memory_space<hbm>>
      tpu.enqueue_indirect_dma source(%dma_start3A_53 : memref<10000x128xf32, #tpu.memory_space<hbm>>) target(%arg11 : memref<80x128xf32, #tpu.memory_space<vmem>>) offsets(%dma_start3A_50 : memref<80xi32, #tpu.memory_space<vmem>>) semaphore(%arg14 : memref<!tpu.dma_semaphore, #tpu.memory_space<semaphore_mem>>)
      %scan3A_54 = arith.constant 0 : i32
      %scan3A_55 = arith.constant 0 : i32
      %scan3A_56 = arith.constant 25 : i32
      %scan3A_57 = arith.addi %scan3A_55, %scan3A_56 : i32
      %scan3A_58 = arith.constant 1 : i32
      scf.for %scan3A_88 = %scan3A_55 to %scan3A_57 step %scan3A_58  : i32 {
        %jit3A = arith.constant 4 : i32
        %eq3A_89 = arith.constant 0 : i32
        %eq3A_90 = arith.cmpi eq, %jit3A, %eq3A_89 : i32
        %jit3A_91 = arith.constant 1 : i32
        %select_n3A = arith.select %eq3A_90, %jit3A_91, %jit3A : i32
        %rem3A = arith.remsi %scan3A_88, %select_n3A : i32
        %ne3A = arith.constant 0 : i32
        %ne3A_92 = arith.cmpi ne, %rem3A, %ne3A : i32
        %lt3A = arith.constant 0 : i32
        %lt3A_93 = arith.cmpi slt, %rem3A, %lt3A : i32
        %lt3A_94 = arith.constant 0 : i32
        %lt3A_95 = arith.cmpi slt, %select_n3A, %lt3A_94 : i32
        %ne3A_96 = arith.xori %lt3A_93, %lt3A_95 : i1
        %and3A = arith.andi %ne3A_96, %ne3A_92 : i1
        %add3A_97 = arith.addi %rem3A, %select_n3A : i32
        %select_n3A_98 = arith.select %and3A, %add3A_97, %rem3A : i32
        %eq3A_99 = arith.constant 0 : i32
        %eq3A_100 = arith.cmpi eq, %select_n3A_98, %eq3A_99 : i32
        %convert_element_type3A_101 = arith.extui %eq3A_100 : i1 to i32
        %cond3A_102 = arith.constant 0 : i32
        %cond3A_103 = arith.cmpi ne, %convert_element_type3A_101, %cond3A_102 : i32
        scf.if %cond3A_103 {
          %dma_wait3A_167 = arith.constant 0 : i32
          %dma_wait3A_168 = tpu.memref_slice %arg8[%dma_wait3A_167] : memref<2000xi32, #tpu.memory_space<vmem>> -> memref<80xi32, #tpu.memory_space<vmem>>
          %dma_wait3A_169 = arith.constant 0 : i32
          %dma_wait3A_170 = arith.constant 0 : i32
          %dma_wait3A_171 = tpu.memref_slice %arg2[%dma_wait3A_169, %dma_wait3A_170] : memref<10000x128xf32, #tpu.memory_space<hbm>> -> memref<10000x128xf32, #tpu.memory_space<hbm>>
          tpu.wait_indirect_dma semaphore(%arg14 : memref<!tpu.dma_semaphore, #tpu.memory_space<semaphore_mem>>) src(%dma_wait3A_171 : memref<10000x128xf32, #tpu.memory_space<hbm>>) dst(%arg10 : memref<80x128xf32, #tpu.memory_space<vmem>>)
          %add3A_172 = arith.constant 2 : i32
          %add3A_173 = arith.addi %scan3A_88, %add3A_172 : i32
          %lt3A_174 = arith.constant 25 : i32
          %lt3A_175 = arith.cmpi slt, %add3A_173, %lt3A_174 : i32
          %convert_element_type3A_176 = arith.extui %lt3A_175 : i1 to i32
          %cond3A_177 = arith.constant 0 : i32
          %cond3A_178 = arith.cmpi ne, %convert_element_type3A_176, %cond3A_177 : i32
          scf.if %cond3A_178 {
            %ge3A = arith.constant 2 : i32
            %ge3A_185 = arith.cmpi sge, %scan3A_88, %ge3A : i32
            %convert_element_type3A_186 = arith.extui %ge3A_185 : i1 to i32
            %cond3A_187 = arith.constant 0 : i32
            %cond3A_188 = arith.cmpi ne, %convert_element_type3A_186, %cond3A_187 : i32
            scf.if %cond3A_188 {
              %dma_wait3A_197 = arith.constant 0 : i32
              %dma_wait3A_198 = arith.constant 0 : i32
              %dma_wait3A_199 = tpu.memref_slice %arg9[%dma_wait3A_197, %dma_wait3A_198] : memref<25x80xi32, #tpu.memory_space<vmem>> -> memref<1x80xi32, #tpu.memory_space<vmem>>
              %dma_wait3A_200 = tpu.memref_squeeze %dma_wait3A_199 : memref<1x80xi32, #tpu.memory_space<vmem>> -> memref<80xi32, #tpu.memory_space<vmem>>
              %dma_wait3A_201 = arith.constant 0 : i32
              %dma_wait3A_202 = arith.constant 0 : i32
              %dma_wait3A_203 = tpu.memref_slice %arg7[%dma_wait3A_201, %dma_wait3A_202] : memref<10240x128xf32, #tpu.memory_space<vmem_shared>> -> memref<10240x128xf32, #tpu.memory_space<vmem_shared>>
              tpu.wait_indirect_dma semaphore(%arg15 : memref<!tpu.dma_semaphore, #tpu.memory_space<semaphore_mem>>) src(%arg10 : memref<80x128xf32, #tpu.memory_space<vmem>>) dst(%dma_wait3A_203 : memref<10240x128xf32, #tpu.memory_space<vmem_shared>>)
            } else {
            }
            %add3A_189 = arith.constant 2 : i32
            %add3A_190 = arith.addi %scan3A_88, %add3A_189 : i32
            %mul3A_191 = arith.constant 80 : i32
            %mul3A_192 = arith.muli %add3A_190, %mul3A_191 : i32
            %dma_start3A_193 = tpu.memref_slice %arg8[%mul3A_192] : memref<2000xi32, #tpu.memory_space<vmem>> -> memref<80xi32, #tpu.memory_space<vmem>>
            %dma_start3A_194 = arith.constant 0 : i32
            %dma_start3A_195 = arith.constant 0 : i32
            %dma_start3A_196 = tpu.memref_slice %arg2[%dma_start3A_194, %dma_start3A_195] : memref<10000x128xf32, #tpu.memory_space<hbm>> -> memref<10000x128xf32, #tpu.memory_space<hbm>>
            tpu.enqueue_indirect_dma source(%dma_start3A_196 : memref<10000x128xf32, #tpu.memory_space<hbm>>) target(%arg12 : memref<80x128xf32, #tpu.memory_space<vmem>>) offsets(%dma_start3A_193 : memref<80xi32, #tpu.memory_space<vmem>>) semaphore(%arg14 : memref<!tpu.dma_semaphore, #tpu.memory_space<semaphore_mem>>)
          } else {
          }
          %dma_start3A_179 = arith.constant 0 : i32
          %dma_start3A_180 = tpu.memref_slice %arg9[%scan3A_88, %dma_start3A_179] : memref<25x80xi32, #tpu.memory_space<vmem>> -> memref<1x80xi32, #tpu.memory_space<vmem>>
          %dma_start3A_181 = tpu.memref_squeeze %dma_start3A_180 : memref<1x80xi32, #tpu.memory_space<vmem>> -> memref<80xi32, #tpu.memory_space<vmem>>
          %dma_start3A_182 = arith.constant 0 : i32
          %dma_start3A_183 = arith.constant 0 : i32
          %dma_start3A_184 = tpu.memref_slice %arg7[%dma_start3A_182, %dma_start3A_183] : memref<10240x128xf32, #tpu.memory_space<vmem_shared>> -> memref<10240x128xf32, #tpu.memory_space<vmem_shared>>
          tpu.enqueue_indirect_dma source(%arg10 : memref<80x128xf32, #tpu.memory_space<vmem>>) target(%dma_start3A_184 : memref<10240x128xf32, #tpu.memory_space<vmem_shared>>) offsets(%dma_start3A_181 : memref<80xi32, #tpu.memory_space<vmem>>) semaphore(%arg15 : memref<!tpu.dma_semaphore, #tpu.memory_space<semaphore_mem>>) {add = true}
        } else {
        }
        %jit3A_104 = arith.constant 4 : i32
        %eq3A_105 = arith.constant 0 : i32
        %eq3A_106 = arith.cmpi eq, %jit3A_104, %eq3A_105 : i32
        %jit3A_107 = arith.constant 1 : i32
        %select_n3A_108 = arith.select %eq3A_106, %jit3A_107, %jit3A_104 : i32
        %rem3A_109 = arith.remsi %scan3A_88, %select_n3A_108 : i32
        %ne3A_110 = arith.constant 0 : i32
        %ne3A_111 = arith.cmpi ne, %rem3A_109, %ne3A_110 : i32
        %lt3A_112 = arith.constant 0 : i32
        %lt3A_113 = arith.cmpi slt, %rem3A_109, %lt3A_112 : i32
        %lt3A_114 = arith.constant 0 : i32
        %lt3A_115 = arith.cmpi slt, %select_n3A_108, %lt3A_114 : i32
        %ne3A_116 = arith.xori %lt3A_113, %lt3A_115 : i1
        %and3A_117 = arith.andi %ne3A_116, %ne3A_111 : i1
        %add3A_118 = arith.addi %rem3A_109, %select_n3A_108 : i32
        %select_n3A_119 = arith.select %and3A_117, %add3A_118, %rem3A_109 : i32
        %eq3A_120 = arith.constant 1 : i32
        %eq3A_121 = arith.cmpi eq, %select_n3A_119, %eq3A_120 : i32
        %convert_element_type3A_122 = arith.extui %eq3A_121 : i1 to i32
        %cond3A_123 = arith.constant 0 : i32
        %cond3A_124 = arith.cmpi ne, %convert_element_type3A_122, %cond3A_123 : i32
        scf.if %cond3A_124 {
          %dma_wait3A_167 = arith.constant 0 : i32
          %dma_wait3A_168 = tpu.memref_slice %arg8[%dma_wait3A_167] : memref<2000xi32, #tpu.memory_space<vmem>> -> memref<80xi32, #tpu.memory_space<vmem>>
          %dma_wait3A_169 = arith.constant 0 : i32
          %dma_wait3A_170 = arith.constant 0 : i32
          %dma_wait3A_171 = tpu.memref_slice %arg2[%dma_wait3A_169, %dma_wait3A_170] : memref<10000x128xf32, #tpu.memory_space<hbm>> -> memref<10000x128xf32, #tpu.memory_space<hbm>>
          tpu.wait_indirect_dma semaphore(%arg14 : memref<!tpu.dma_semaphore, #tpu.memory_space<semaphore_mem>>) src(%dma_wait3A_171 : memref<10000x128xf32, #tpu.memory_space<hbm>>) dst(%arg11 : memref<80x128xf32, #tpu.memory_space<vmem>>)
          %add3A_172 = arith.constant 2 : i32
          %add3A_173 = arith.addi %scan3A_88, %add3A_172 : i32
          %lt3A_174 = arith.constant 25 : i32
          %lt3A_175 = arith.cmpi slt, %add3A_173, %lt3A_174 : i32
          %convert_element_type3A_176 = arith.extui %lt3A_175 : i1 to i32
          %cond3A_177 = arith.constant 0 : i32
          %cond3A_178 = arith.cmpi ne, %convert_element_type3A_176, %cond3A_177 : i32
          scf.if %cond3A_178 {
            %ge3A = arith.constant 2 : i32
            %ge3A_185 = arith.cmpi sge, %scan3A_88, %ge3A : i32
            %convert_element_type3A_186 = arith.extui %ge3A_185 : i1 to i32
            %cond3A_187 = arith.constant 0 : i32
            %cond3A_188 = arith.cmpi ne, %convert_element_type3A_186, %cond3A_187 : i32
            scf.if %cond3A_188 {
              %dma_wait3A_197 = arith.constant 0 : i32
              %dma_wait3A_198 = arith.constant 0 : i32
              %dma_wait3A_199 = tpu.memref_slice %arg9[%dma_wait3A_197, %dma_wait3A_198] : memref<25x80xi32, #tpu.memory_space<vmem>> -> memref<1x80xi32, #tpu.memory_space<vmem>>
              %dma_wait3A_200 = tpu.memref_squeeze %dma_wait3A_199 : memref<1x80xi32, #tpu.memory_space<vmem>> -> memref<80xi32, #tpu.memory_space<vmem>>
              %dma_wait3A_201 = arith.constant 0 : i32
              %dma_wait3A_202 = arith.constant 0 : i32
              %dma_wait3A_203 = tpu.memref_slice %arg7[%dma_wait3A_201, %dma_wait3A_202] : memref<10240x128xf32, #tpu.memory_space<vmem_shared>> -> memref<10240x128xf32, #tpu.memory_space<vmem_shared>>
              tpu.wait_indirect_dma semaphore(%arg15 : memref<!tpu.dma_semaphore, #tpu.memory_space<semaphore_mem>>) src(%arg10 : memref<80x128xf32, #tpu.memory_space<vmem>>) dst(%dma_wait3A_203 : memref<10240x128xf32, #tpu.memory_space<vmem_shared>>)
            } else {
            }
            %add3A_189 = arith.constant 2 : i32
            %add3A_190 = arith.addi %scan3A_88, %add3A_189 : i32
            %mul3A_191 = arith.constant 80 : i32
            %mul3A_192 = arith.muli %add3A_190, %mul3A_191 : i32
            %dma_start3A_193 = tpu.memref_slice %arg8[%mul3A_192] : memref<2000xi32, #tpu.memory_space<vmem>> -> memref<80xi32, #tpu.memory_space<vmem>>
            %dma_start3A_194 = arith.constant 0 : i32
            %dma_start3A_195 = arith.constant 0 : i32
            %dma_start3A_196 = tpu.memref_slice %arg2[%dma_start3A_194, %dma_start3A_195] : memref<10000x128xf32, #tpu.memory_space<hbm>> -> memref<10000x128xf32, #tpu.memory_space<hbm>>
            tpu.enqueue_indirect_dma source(%dma_start3A_196 : memref<10000x128xf32, #tpu.memory_space<hbm>>) target(%arg13 : memref<80x128xf32, #tpu.memory_space<vmem>>) offsets(%dma_start3A_193 : memref<80xi32, #tpu.memory_space<vmem>>) semaphore(%arg14 : memref<!tpu.dma_semaphore, #tpu.memory_space<semaphore_mem>>)
          } else {
          }
          %dma_start3A_179 = arith.constant 0 : i32
          %dma_start3A_180 = tpu.memref_slice %arg9[%scan3A_88, %dma_start3A_179] : memref<25x80xi32, #tpu.memory_space<vmem>> -> memref<1x80xi32, #tpu.memory_space<vmem>>
          %dma_start3A_181 = tpu.memref_squeeze %dma_start3A_180 : memref<1x80xi32, #tpu.memory_space<vmem>> -> memref<80xi32, #tpu.memory_space<vmem>>
          %dma_start3A_182 = arith.constant 0 : i32
          %dma_start3A_183 = arith.constant 0 : i32
          %dma_start3A_184 = tpu.memref_slice %arg7[%dma_start3A_182, %dma_start3A_183] : memref<10240x128xf32, #tpu.memory_space<vmem_shared>> -> memref<10240x128xf32, #tpu.memory_space<vmem_shared>>
          tpu.enqueue_indirect_dma source(%arg11 : memref<80x128xf32, #tpu.memory_space<vmem>>) target(%dma_start3A_184 : memref<10240x128xf32, #tpu.memory_space<vmem_shared>>) offsets(%dma_start3A_181 : memref<80xi32, #tpu.memory_space<vmem>>) semaphore(%arg15 : memref<!tpu.dma_semaphore, #tpu.memory_space<semaphore_mem>>) {add = true}
        } else {
        }
        %jit3A_125 = arith.constant 4 : i32
        %eq3A_126 = arith.constant 0 : i32
        %eq3A_127 = arith.cmpi eq, %jit3A_125, %eq3A_126 : i32
        %jit3A_128 = arith.constant 1 : i32
        %select_n3A_129 = arith.select %eq3A_127, %jit3A_128, %jit3A_125 : i32
        %rem3A_130 = arith.remsi %scan3A_88, %select_n3A_129 : i32
        %ne3A_131 = arith.constant 0 : i32
        %ne3A_132 = arith.cmpi ne, %rem3A_130, %ne3A_131 : i32
        %lt3A_133 = arith.constant 0 : i32
        %lt3A_134 = arith.cmpi slt, %rem3A_130, %lt3A_133 : i32
        %lt3A_135 = arith.constant 0 : i32
        %lt3A_136 = arith.cmpi slt, %select_n3A_129, %lt3A_135 : i32
        %ne3A_137 = arith.xori %lt3A_134, %lt3A_136 : i1
        %and3A_138 = arith.andi %ne3A_137, %ne3A_132 : i1
        %add3A_139 = arith.addi %rem3A_130, %select_n3A_129 : i32
        %select_n3A_140 = arith.select %and3A_138, %add3A_139, %rem3A_130 : i32
        %eq3A_141 = arith.constant 2 : i32
        %eq3A_142 = arith.cmpi eq, %select_n3A_140, %eq3A_141 : i32
        %convert_element_type3A_143 = arith.extui %eq3A_142 : i1 to i32
        %cond3A_144 = arith.constant 0 : i32
        %cond3A_145 = arith.cmpi ne, %convert_element_type3A_143, %cond3A_144 : i32
        scf.if %cond3A_145 {
          %dma_wait3A_167 = arith.constant 0 : i32
          %dma_wait3A_168 = tpu.memref_slice %arg8[%dma_wait3A_167] : memref<2000xi32, #tpu.memory_space<vmem>> -> memref<80xi32, #tpu.memory_space<vmem>>
          %dma_wait3A_169 = arith.constant 0 : i32
          %dma_wait3A_170 = arith.constant 0 : i32
          %dma_wait3A_171 = tpu.memref_slice %arg2[%dma_wait3A_169, %dma_wait3A_170] : memref<10000x128xf32, #tpu.memory_space<hbm>> -> memref<10000x128xf32, #tpu.memory_space<hbm>>
          tpu.wait_indirect_dma semaphore(%arg14 : memref<!tpu.dma_semaphore, #tpu.memory_space<semaphore_mem>>) src(%dma_wait3A_171 : memref<10000x128xf32, #tpu.memory_space<hbm>>) dst(%arg12 : memref<80x128xf32, #tpu.memory_space<vmem>>)
          %add3A_172 = arith.constant 2 : i32
          %add3A_173 = arith.addi %scan3A_88, %add3A_172 : i32
          %lt3A_174 = arith.constant 25 : i32
          %lt3A_175 = arith.cmpi slt, %add3A_173, %lt3A_174 : i32
          %convert_element_type3A_176 = arith.extui %lt3A_175 : i1 to i32
          %cond3A_177 = arith.constant 0 : i32
          %cond3A_178 = arith.cmpi ne, %convert_element_type3A_176, %cond3A_177 : i32
          scf.if %cond3A_178 {
            %ge3A = arith.constant 2 : i32
            %ge3A_185 = arith.cmpi sge, %scan3A_88, %ge3A : i32
            %convert_element_type3A_186 = arith.extui %ge3A_185 : i1 to i32
            %cond3A_187 = arith.constant 0 : i32
            %cond3A_188 = arith.cmpi ne, %convert_element_type3A_186, %cond3A_187 : i32
            scf.if %cond3A_188 {
              %dma_wait3A_197 = arith.constant 0 : i32
              %dma_wait3A_198 = arith.constant 0 : i32
              %dma_wait3A_199 = tpu.memref_slice %arg9[%dma_wait3A_197, %dma_wait3A_198] : memref<25x80xi32, #tpu.memory_space<vmem>> -> memref<1x80xi32, #tpu.memory_space<vmem>>
              %dma_wait3A_200 = tpu.memref_squeeze %dma_wait3A_199 : memref<1x80xi32, #tpu.memory_space<vmem>> -> memref<80xi32, #tpu.memory_space<vmem>>
              %dma_wait3A_201 = arith.constant 0 : i32
              %dma_wait3A_202 = arith.constant 0 : i32
              %dma_wait3A_203 = tpu.memref_slice %arg7[%dma_wait3A_201, %dma_wait3A_202] : memref<10240x128xf32, #tpu.memory_space<vmem_shared>> -> memref<10240x128xf32, #tpu.memory_space<vmem_shared>>
              tpu.wait_indirect_dma semaphore(%arg15 : memref<!tpu.dma_semaphore, #tpu.memory_space<semaphore_mem>>) src(%arg10 : memref<80x128xf32, #tpu.memory_space<vmem>>) dst(%dma_wait3A_203 : memref<10240x128xf32, #tpu.memory_space<vmem_shared>>)
            } else {
            }
            %add3A_189 = arith.constant 2 : i32
            %add3A_190 = arith.addi %scan3A_88, %add3A_189 : i32
            %mul3A_191 = arith.constant 80 : i32
            %mul3A_192 = arith.muli %add3A_190, %mul3A_191 : i32
            %dma_start3A_193 = tpu.memref_slice %arg8[%mul3A_192] : memref<2000xi32, #tpu.memory_space<vmem>> -> memref<80xi32, #tpu.memory_space<vmem>>
            %dma_start3A_194 = arith.constant 0 : i32
            %dma_start3A_195 = arith.constant 0 : i32
            %dma_start3A_196 = tpu.memref_slice %arg2[%dma_start3A_194, %dma_start3A_195] : memref<10000x128xf32, #tpu.memory_space<hbm>> -> memref<10000x128xf32, #tpu.memory_space<hbm>>
            tpu.enqueue_indirect_dma source(%dma_start3A_196 : memref<10000x128xf32, #tpu.memory_space<hbm>>) target(%arg10 : memref<80x128xf32, #tpu.memory_space<vmem>>) offsets(%dma_start3A_193 : memref<80xi32, #tpu.memory_space<vmem>>) semaphore(%arg14 : memref<!tpu.dma_semaphore, #tpu.memory_space<semaphore_mem>>)
          } else {
          }
          %dma_start3A_179 = arith.constant 0 : i32
          %dma_start3A_180 = tpu.memref_slice %arg9[%scan3A_88, %dma_start3A_179] : memref<25x80xi32, #tpu.memory_space<vmem>> -> memref<1x80xi32, #tpu.memory_space<vmem>>
          %dma_start3A_181 = tpu.memref_squeeze %dma_start3A_180 : memref<1x80xi32, #tpu.memory_space<vmem>> -> memref<80xi32, #tpu.memory_space<vmem>>
          %dma_start3A_182 = arith.constant 0 : i32
          %dma_start3A_183 = arith.constant 0 : i32
          %dma_start3A_184 = tpu.memref_slice %arg7[%dma_start3A_182, %dma_start3A_183] : memref<10240x128xf32, #tpu.memory_space<vmem_shared>> -> memref<10240x128xf32, #tpu.memory_space<vmem_shared>>
          tpu.enqueue_indirect_dma source(%arg12 : memref<80x128xf32, #tpu.memory_space<vmem>>) target(%dma_start3A_184 : memref<10240x128xf32, #tpu.memory_space<vmem_shared>>) offsets(%dma_start3A_181 : memref<80xi32, #tpu.memory_space<vmem>>) semaphore(%arg15 : memref<!tpu.dma_semaphore, #tpu.memory_space<semaphore_mem>>) {add = true}
        } else {
        }
        %jit3A_146 = arith.constant 4 : i32
        %eq3A_147 = arith.constant 0 : i32
        %eq3A_148 = arith.cmpi eq, %jit3A_146, %eq3A_147 : i32
        %jit3A_149 = arith.constant 1 : i32
        %select_n3A_150 = arith.select %eq3A_148, %jit3A_149, %jit3A_146 : i32
        %rem3A_151 = arith.remsi %scan3A_88, %select_n3A_150 : i32
        %ne3A_152 = arith.constant 0 : i32
        %ne3A_153 = arith.cmpi ne, %rem3A_151, %ne3A_152 : i32
        %lt3A_154 = arith.constant 0 : i32
        %lt3A_155 = arith.cmpi slt, %rem3A_151, %lt3A_154 : i32
        %lt3A_156 = arith.constant 0 : i32
        %lt3A_157 = arith.cmpi slt, %select_n3A_150, %lt3A_156 : i32
        %ne3A_158 = arith.xori %lt3A_155, %lt3A_157 : i1
        %and3A_159 = arith.andi %ne3A_158, %ne3A_153 : i1
        %add3A_160 = arith.addi %rem3A_151, %select_n3A_150 : i32
        %select_n3A_161 = arith.select %and3A_159, %add3A_160, %rem3A_151 : i32
        %eq3A_162 = arith.constant 3 : i32
        %eq3A_163 = arith.cmpi eq, %select_n3A_161, %eq3A_162 : i32
        %convert_element_type3A_164 = arith.extui %eq3A_163 : i1 to i32
        %cond3A_165 = arith.constant 0 : i32
        %cond3A_166 = arith.cmpi ne, %convert_element_type3A_164, %cond3A_165 : i32
        scf.if %cond3A_166 {
          %dma_wait3A_167 = arith.constant 0 : i32
          %dma_wait3A_168 = tpu.memref_slice %arg8[%dma_wait3A_167] : memref<2000xi32, #tpu.memory_space<vmem>> -> memref<80xi32, #tpu.memory_space<vmem>>
          %dma_wait3A_169 = arith.constant 0 : i32
          %dma_wait3A_170 = arith.constant 0 : i32
          %dma_wait3A_171 = tpu.memref_slice %arg2[%dma_wait3A_169, %dma_wait3A_170] : memref<10000x128xf32, #tpu.memory_space<hbm>> -> memref<10000x128xf32, #tpu.memory_space<hbm>>
          tpu.wait_indirect_dma semaphore(%arg14 : memref<!tpu.dma_semaphore, #tpu.memory_space<semaphore_mem>>) src(%dma_wait3A_171 : memref<10000x128xf32, #tpu.memory_space<hbm>>) dst(%arg13 : memref<80x128xf32, #tpu.memory_space<vmem>>)
          %add3A_172 = arith.constant 2 : i32
          %add3A_173 = arith.addi %scan3A_88, %add3A_172 : i32
          %lt3A_174 = arith.constant 25 : i32
          %lt3A_175 = arith.cmpi slt, %add3A_173, %lt3A_174 : i32
          %convert_element_type3A_176 = arith.extui %lt3A_175 : i1 to i32
          %cond3A_177 = arith.constant 0 : i32
          %cond3A_178 = arith.cmpi ne, %convert_element_type3A_176, %cond3A_177 : i32
          scf.if %cond3A_178 {
            %ge3A = arith.constant 2 : i32
            %ge3A_185 = arith.cmpi sge, %scan3A_88, %ge3A : i32
            %convert_element_type3A_186 = arith.extui %ge3A_185 : i1 to i32
            %cond3A_187 = arith.constant 0 : i32
            %cond3A_188 = arith.cmpi ne, %convert_element_type3A_186, %cond3A_187 : i32
            scf.if %cond3A_188 {
              %dma_wait3A_197 = arith.constant 0 : i32
              %dma_wait3A_198 = arith.constant 0 : i32
              %dma_wait3A_199 = tpu.memref_slice %arg9[%dma_wait3A_197, %dma_wait3A_198] : memref<25x80xi32, #tpu.memory_space<vmem>> -> memref<1x80xi32, #tpu.memory_space<vmem>>
              %dma_wait3A_200 = tpu.memref_squeeze %dma_wait3A_199 : memref<1x80xi32, #tpu.memory_space<vmem>> -> memref<80xi32, #tpu.memory_space<vmem>>
              %dma_wait3A_201 = arith.constant 0 : i32
              %dma_wait3A_202 = arith.constant 0 : i32
              %dma_wait3A_203 = tpu.memref_slice %arg7[%dma_wait3A_201, %dma_wait3A_202] : memref<10240x128xf32, #tpu.memory_space<vmem_shared>> -> memref<10240x128xf32, #tpu.memory_space<vmem_shared>>
              tpu.wait_indirect_dma semaphore(%arg15 : memref<!tpu.dma_semaphore, #tpu.memory_space<semaphore_mem>>) src(%arg10 : memref<80x128xf32, #tpu.memory_space<vmem>>) dst(%dma_wait3A_203 : memref<10240x128xf32, #tpu.memory_space<vmem_shared>>)
            } else {
            }
            %add3A_189 = arith.constant 2 : i32
            %add3A_190 = arith.addi %scan3A_88, %add3A_189 : i32
            %mul3A_191 = arith.constant 80 : i32
            %mul3A_192 = arith.muli %add3A_190, %mul3A_191 : i32
            %dma_start3A_193 = tpu.memref_slice %arg8[%mul3A_192] : memref<2000xi32, #tpu.memory_space<vmem>> -> memref<80xi32, #tpu.memory_space<vmem>>
            %dma_start3A_194 = arith.constant 0 : i32
            %dma_start3A_195 = arith.constant 0 : i32
            %dma_start3A_196 = tpu.memref_slice %arg2[%dma_start3A_194, %dma_start3A_195] : memref<10000x128xf32, #tpu.memory_space<hbm>> -> memref<10000x128xf32, #tpu.memory_space<hbm>>
            tpu.enqueue_indirect_dma source(%dma_start3A_196 : memref<10000x128xf32, #tpu.memory_space<hbm>>) target(%arg11 : memref<80x128xf32, #tpu.memory_space<vmem>>) offsets(%dma_start3A_193 : memref<80xi32, #tpu.memory_space<vmem>>) semaphore(%arg14 : memref<!tpu.dma_semaphore, #tpu.memory_space<semaphore_mem>>)
          } else {
          }
          %dma_start3A_179 = arith.constant 0 : i32
          %dma_start3A_180 = tpu.memref_slice %arg9[%scan3A_88, %dma_start3A_179] : memref<25x80xi32, #tpu.memory_space<vmem>> -> memref<1x80xi32, #tpu.memory_space<vmem>>
          %dma_start3A_181 = tpu.memref_squeeze %dma_start3A_180 : memref<1x80xi32, #tpu.memory_space<vmem>> -> memref<80xi32, #tpu.memory_space<vmem>>
          %dma_start3A_182 = arith.constant 0 : i32
          %dma_start3A_183 = arith.constant 0 : i32
          %dma_start3A_184 = tpu.memref_slice %arg7[%dma_start3A_182, %dma_start3A_183] : memref<10240x128xf32, #tpu.memory_space<vmem_shared>> -> memref<10240x128xf32, #tpu.memory_space<vmem_shared>>
          tpu.enqueue_indirect_dma source(%arg13 : memref<80x128xf32, #tpu.memory_space<vmem>>) target(%dma_start3A_184 : memref<10240x128xf32, #tpu.memory_space<vmem_shared>>) offsets(%dma_start3A_181 : memref<80xi32, #tpu.memory_space<vmem>>) semaphore(%arg15 : memref<!tpu.dma_semaphore, #tpu.memory_space<semaphore_mem>>) {add = true}
        } else {
        }
      }
      %scan3A_59 = arith.constant 25 : i32
      %dma_wait3A_60 = arith.constant 0 : i32
      %dma_wait3A_61 = arith.constant 0 : i32
      %dma_wait3A_62 = tpu.memref_slice %arg9[%dma_wait3A_60, %dma_wait3A_61] : memref<25x80xi32, #tpu.memory_space<vmem>> -> memref<1x80xi32, #tpu.memory_space<vmem>>
      %dma_wait3A_63 = tpu.memref_squeeze %dma_wait3A_62 : memref<1x80xi32, #tpu.memory_space<vmem>> -> memref<80xi32, #tpu.memory_space<vmem>>
      %dma_wait3A_64 = arith.constant 0 : i32
      %dma_wait3A_65 = arith.constant 0 : i32
      %dma_wait3A_66 = tpu.memref_slice %arg7[%dma_wait3A_64, %dma_wait3A_65] : memref<10240x128xf32, #tpu.memory_space<vmem_shared>> -> memref<10240x128xf32, #tpu.memory_space<vmem_shared>>
      tpu.wait_indirect_dma semaphore(%arg15 : memref<!tpu.dma_semaphore, #tpu.memory_space<semaphore_mem>>) src(%arg10 : memref<80x128xf32, #tpu.memory_space<vmem>>) dst(%dma_wait3A_66 : memref<10240x128xf32, #tpu.memory_space<vmem_shared>>)
      %dma_wait3A_67 = arith.constant 0 : i32
      %dma_wait3A_68 = arith.constant 0 : i32
      %dma_wait3A_69 = tpu.memref_slice %arg9[%dma_wait3A_67, %dma_wait3A_68] : memref<25x80xi32, #tpu.memory_space<vmem>> -> memref<1x80xi32, #tpu.memory_space<vmem>>
      %dma_wait3A_70 = tpu.memref_squeeze %dma_wait3A_69 : memref<1x80xi32, #tpu.memory_space<vmem>> -> memref<80xi32, #tpu.memory_space<vmem>>
      %dma_wait3A_71 = arith.constant 0 : i32
      %dma_wait3A_72 = arith.constant 0 : i32
      %dma_wait3A_73 = tpu.memref_slice %arg7[%dma_wait3A_71, %dma_wait3A_72] : memref<10240x128xf32, #tpu.memory_space<vmem_shared>> -> memref<10240x128xf32, #tpu.memory_space<vmem_shared>>
      tpu.wait_indirect_dma semaphore(%arg15 : memref<!tpu.dma_semaphore, #tpu.memory_space<semaphore_mem>>) src(%arg10 : memref<80x128xf32, #tpu.memory_space<vmem>>) dst(%dma_wait3A_73 : memref<10240x128xf32, #tpu.memory_space<vmem_shared>>)
      %dma_wait3A_74 = arith.constant 0 : i32
      %dma_wait3A_75 = arith.constant 0 : i32
      %dma_wait3A_76 = tpu.memref_slice %arg9[%dma_wait3A_74, %dma_wait3A_75] : memref<25x80xi32, #tpu.memory_space<vmem>> -> memref<1x80xi32, #tpu.memory_space<vmem>>
      %dma_wait3A_77 = tpu.memref_squeeze %dma_wait3A_76 : memref<1x80xi32, #tpu.memory_space<vmem>> -> memref<80xi32, #tpu.memory_space<vmem>>
      %dma_wait3A_78 = arith.constant 0 : i32
      %dma_wait3A_79 = arith.constant 0 : i32
      %dma_wait3A_80 = tpu.memref_slice %arg7[%dma_wait3A_78, %dma_wait3A_79] : memref<10240x128xf32, #tpu.memory_space<vmem_shared>> -> memref<10240x128xf32, #tpu.memory_space<vmem_shared>>
      tpu.wait_indirect_dma semaphore(%arg15 : memref<!tpu.dma_semaphore, #tpu.memory_space<semaphore_mem>>) src(%arg10 : memref<80x128xf32, #tpu.memory_space<vmem>>) dst(%dma_wait3A_80 : memref<10240x128xf32, #tpu.memory_space<vmem_shared>>)
      %dma_wait3A_81 = arith.constant 0 : i32
      %dma_wait3A_82 = arith.constant 0 : i32
      %dma_wait3A_83 = tpu.memref_slice %arg9[%dma_wait3A_81, %dma_wait3A_82] : memref<25x80xi32, #tpu.memory_space<vmem>> -> memref<1x80xi32, #tpu.memory_space<vmem>>
      %dma_wait3A_84 = tpu.memref_squeeze %dma_wait3A_83 : memref<1x80xi32, #tpu.memory_space<vmem>> -> memref<80xi32, #tpu.memory_space<vmem>>
      %dma_wait3A_85 = arith.constant 0 : i32
      %dma_wait3A_86 = arith.constant 0 : i32
      %dma_wait3A_87 = tpu.memref_slice %arg7[%dma_wait3A_85, %dma_wait3A_86] : memref<10240x128xf32, #tpu.memory_space<vmem_shared>> -> memref<10240x128xf32, #tpu.memory_space<vmem_shared>>
      tpu.wait_indirect_dma semaphore(%arg15 : memref<!tpu.dma_semaphore, #tpu.memory_space<semaphore_mem>>) src(%arg10 : memref<80x128xf32, #tpu.memory_space<vmem>>) dst(%dma_wait3A_87 : memref<10240x128xf32, #tpu.memory_space<vmem_shared>>)
    }
    %scan3A_8 = arith.constant 5 : i32
    %barrier3A = arith.constant 0 : index
    tpu.barrier barrier_id(%barrier3A)
    %mul3A_9 = arith.constant 640 : i32
    %mul3A_10 = arith.muli %arg1, %mul3A_9 : i32
    %mul3A_11 = arith.constant 640 : i32
    %mul3A_12 = arith.muli %arg1, %mul3A_11 : i32
    "tpu.region"() ({
      %run_scoped3A = tpu.sem_alloc : memref<!tpu.dma_semaphore, #tpu.memory_space<semaphore_mem>>
      %dma_start3A_13 = arith.constant 0 : i32
      %dma_start3A_14 = tpu.memref_slice %arg6[%arg0, %mul3A_12, %dma_start3A_13] : memref<2x10240x128xf32, #tpu.memory_space<hbm>> -> memref<1x640x128xf32, #tpu.memory_space<hbm>>
      %dma_start3A_15 = tpu.memref_squeeze %dma_start3A_14 : memref<1x640x128xf32, #tpu.memory_space<hbm>> -> memref<640x128xf32, #tpu.memory_space<hbm>>
      %dma_start3A_16 = arith.constant 0 : i32
      %dma_start3A_17 = tpu.memref_slice %arg7[%mul3A_10, %dma_start3A_16] : memref<10240x128xf32, #tpu.memory_space<vmem_shared>> -> memref<640x128xf32, #tpu.memory_space<vmem_shared>>
      tpu.enqueue_dma source(%dma_start3A_17 : memref<640x128xf32, #tpu.memory_space<vmem_shared>>) target(%dma_start3A_15 : memref<640x128xf32, #tpu.memory_space<hbm>>) target_semaphore(%run_scoped3A : memref<!tpu.dma_semaphore, #tpu.memory_space<semaphore_mem>>)
      %dma_wait3A = arith.constant 0 : i32
      %dma_wait3A_18 = tpu.memref_slice %arg6[%arg0, %mul3A_12, %dma_wait3A] : memref<2x10240x128xf32, #tpu.memory_space<hbm>> -> memref<1x640x128xf32, #tpu.memory_space<hbm>>
      %dma_wait3A_19 = tpu.memref_squeeze %dma_wait3A_18 : memref<1x640x128xf32, #tpu.memory_space<hbm>> -> memref<640x128xf32, #tpu.memory_space<hbm>>
      %dma_wait3A_20 = arith.constant 0 : i32
      %dma_wait3A_21 = tpu.memref_slice %arg7[%mul3A_10, %dma_wait3A_20] : memref<10240x128xf32, #tpu.memory_space<vmem_shared>> -> memref<640x128xf32, #tpu.memory_space<vmem_shared>>
      tpu.wait_dma2 semaphore(%run_scoped3A : memref<!tpu.dma_semaphore, #tpu.memory_space<semaphore_mem>>) src(%dma_wait3A_21 : memref<640x128xf32, #tpu.memory_space<vmem_shared>>) dst(%dma_wait3A_19 : memref<640x128xf32, #tpu.memory_space<hbm>>)
      tpu.yield
    }) : () -> ()
    return
  }
}

module attributes {stable_mosaic.version = 14 : i64} {
  func.func @body(%arg0: i32, %arg1: memref<2x1000x128xf32, #tpu.memory_space<vmem>>, %arg2: memref<1000x128xf32, #tpu.memory_space<vmem>>, %arg3: memref<1000x128xf32, #tpu.memory_space<vmem>>, %arg4: memref<1000x1xf32, #tpu.memory_space<vmem>>) attributes {dimension_semantics = [#tpu.dimension_semantics<arbitrary>], iteration_bounds = array<i64: 10>, scalar_prefetch = 0 : i64, scratch_operands = 0 : i64, tpu.core_type = #tpu.core_type<tc>, window_params = [{transform_indices = @transform_0, window_bounds = array<i64: 2, 1000, 128>}, {transform_indices = @transform_1, window_bounds = array<i64: 1000, 128>}, {transform_indices = @transform_2, window_bounds = array<i64: 1000, 128>}, {transform_indices = @transform_3, window_bounds = array<i64: 1000, 1>}]} {
    %get3A = arith.constant 0 : index
    %get3A_0 = arith.constant 0 : index
    %get3A_1 = arith.constant 0 : index
    %get3A_2 = vector.load %arg1[%get3A, %get3A_0, %get3A_1] : memref<2x1000x128xf32, #tpu.memory_space<vmem>>, vector<1x1000x1xf32>
    %get3A_3 = vector.shape_cast %get3A_2 : vector<1x1000x1xf32> to vector<1000x1xf32>
    %get3A_4 = arith.constant 1 : index
    %get3A_5 = arith.constant 0 : index
    %get3A_6 = arith.constant 0 : index
    %get3A_7 = vector.load %arg1[%get3A_4, %get3A_5, %get3A_6] : memref<2x1000x128xf32, #tpu.memory_space<vmem>>, vector<1x1000x1xf32>
    %get3A_8 = vector.shape_cast %get3A_7 : vector<1x1000x1xf32> to vector<1000x1xf32>
    %add3A = arith.addf %get3A_3, %get3A_8 : vector<1000x1xf32>
    %add3A_9 = arith.constant 1.000000e+00 : f32
    %add3A_10 = vector.broadcast %add3A_9 : f32 to vector<1000x1xf32>
    %add3A_11 = arith.addf %add3A, %add3A_10 : vector<1000x1xf32>
    %rsqrt3A = math.rsqrt %add3A_11 : vector<1000x1xf32>
    %swap3A = arith.constant 0 : index
    %swap3A_12 = arith.constant 0 : index
    %swap3A_13 = vector.load %arg4[%swap3A, %swap3A_12] : memref<1000x1xf32, #tpu.memory_space<vmem>>, vector<1000x1xf32>
    tpu.vector_store %arg4[%swap3A, %swap3A_12], %rsqrt3A {strides = array<i32>} : memref<1000x1xf32, #tpu.memory_space<vmem>>, vector<1000x1xf32>,
    %get3A_14 = arith.constant 0 : index
    %get3A_15 = arith.constant 0 : index
    %get3A_16 = vector.load %arg2[%get3A_14, %get3A_15] : memref<1000x128xf32, #tpu.memory_space<vmem>>, vector<1000x128xf32>
    %mul3A = vector.broadcast %rsqrt3A : vector<1000x1xf32> to vector<1000x128xf32>
    %mul3A_17 = arith.mulf %get3A_16, %mul3A : vector<1000x128xf32>
    %swap3A_18 = arith.constant 0 : index
    %swap3A_19 = arith.constant 0 : index
    %swap3A_20 = vector.load %arg3[%swap3A_18, %swap3A_19] : memref<1000x128xf32, #tpu.memory_space<vmem>>, vector<1000x128xf32>
    tpu.vector_store %arg3[%swap3A_18, %swap3A_19], %mul3A_17 {strides = array<i32>} : memref<1000x128xf32, #tpu.memory_space<vmem>>, vector<1000x128xf32>,
    return
  }
  func.func @transform_0(%arg0: i32) -> (i32, i32, i32) {
    %c0_i32 = arith.constant 0 : i32
    %c0_i32_0 = arith.constant 0 : i32
    %c0_i32_1 = arith.constant 0 : i32
    return %c0_i32, %arg0, %c0_i32_0 : i32, i32, i32
  }
  func.func @transform_1(%arg0: i32) -> (i32, i32) {
    %c0_i32 = arith.constant 0 : i32
    %c0_i32_0 = arith.constant 0 : i32
    return %arg0, %c0_i32 : i32, i32
  }
  func.func @transform_2(%arg0: i32) -> (i32, i32) {
    %c0_i32 = arith.constant 0 : i32
    %c0_i32_0 = arith.constant 0 : i32
    return %arg0, %c0_i32 : i32, i32
  }
  func.func @transform_3(%arg0: i32) -> (i32, i32) {
    %c0_i32 = arith.constant 0 : i32
    %c0_i32_0 = arith.constant 0 : i32
    return %arg0, %c0_i32 : i32, i32
  }
}

module attributes {stable_mosaic.version = 14 : i64} {
  func.func @body(%arg0: i32, %arg1: memref<2x1000x128xf32, #tpu.memory_space<vmem>>, %arg2: memref<1000x128xf32, #tpu.memory_space<vmem>>, %arg3: memref<1000x1xf32, #tpu.memory_space<vmem>>, %arg4: memref<128x512xbf16, #tpu.memory_space<vmem>>, %arg5: memref<1x512xf32, #tpu.memory_space<vmem>>, %arg6: memref<512x256xbf16, #tpu.memory_space<vmem>>, %arg7: memref<1000x256xf32, #tpu.memory_space<vmem>>) attributes {dimension_semantics = [#tpu.dimension_semantics<arbitrary>], iteration_bounds = array<i64: 10>, scalar_prefetch = 0 : i64, scratch_operands = 0 : i64, tpu.core_type = #tpu.core_type<tc>, window_params = [{transform_indices = @transform_0, window_bounds = array<i64: 2, 1000, 128>}, {transform_indices = @transform_1, window_bounds = array<i64: 1000, 128>}, {transform_indices = @transform_2, window_bounds = array<i64: 1000, 1>}, {pipeline_mode = #tpu.pipeline_mode<synchronous>, transform_indices = @transform_3, window_bounds = array<i64: 128, 512>}, {pipeline_mode = #tpu.pipeline_mode<synchronous>, transform_indices = @transform_4, window_bounds = array<i64: 1, 512>}, {pipeline_mode = #tpu.pipeline_mode<synchronous>, transform_indices = @transform_5, window_bounds = array<i64: 512, 256>}, {transform_indices = @transform_6, window_bounds = array<i64: 1000, 256>}]} {
    %get3A = arith.constant 0 : index
    %get3A_0 = arith.constant 0 : index
    %get3A_1 = vector.load %arg3[%get3A, %get3A_0] : memref<1000x1xf32, #tpu.memory_space<vmem>>, vector<1000x1xf32>
    %get3A_2 = arith.constant 0 : index
    %get3A_3 = arith.constant 0 : index
    %get3A_4 = arith.constant 0 : index
    %get3A_5 = vector.load %arg1[%get3A_2, %get3A_3, %get3A_4] : memref<2x1000x128xf32, #tpu.memory_space<vmem>>, vector<1x1000x128xf32>
    %get3A_6 = vector.shape_cast %get3A_5 : vector<1x1000x128xf32> to vector<1000x128xf32>
    %get3A_7 = arith.constant 1 : index
    %get3A_8 = arith.constant 0 : index
    %get3A_9 = arith.constant 0 : index
    %get3A_10 = vector.load %arg1[%get3A_7, %get3A_8, %get3A_9] : memref<2x1000x128xf32, #tpu.memory_space<vmem>>, vector<1x1000x128xf32>
    %get3A_11 = vector.shape_cast %get3A_10 : vector<1x1000x128xf32> to vector<1000x128xf32>
    %add3A = arith.addf %get3A_6, %get3A_11 : vector<1000x128xf32>
    %mul3A = vector.broadcast %get3A_1 : vector<1000x1xf32> to vector<1000x128xf32>
    %mul3A_12 = arith.mulf %mul3A, %add3A : vector<1000x128xf32>
    %mul3A_13 = arith.mulf %get3A_1, %get3A_1 : vector<1000x1xf32>
    %get3A_14 = arith.constant 0 : index
    %get3A_15 = arith.constant 0 : index
    %get3A_16 = vector.load %arg2[%get3A_14, %get3A_15] : memref<1000x128xf32, #tpu.memory_space<vmem>>, vector<1000x128xf32>
    %mul3A_17 = vector.broadcast %mul3A_13 : vector<1000x1xf32> to vector<1000x128xf32>
    %mul3A_18 = arith.mulf %mul3A_17, %get3A_16 : vector<1000x128xf32>
    %add3A_19 = arith.addf %mul3A_12, %mul3A_18 : vector<1000x128xf32>
    %convert_element_type3A = arith.truncf %add3A_19 : vector<1000x128xf32> to vector<1000x128xbf16>
    %get3A_20 = arith.constant 0 : index
    %get3A_21 = arith.constant 0 : index
    %get3A_22 = vector.load %arg4[%get3A_20, %get3A_21] : memref<128x512xbf16, #tpu.memory_space<vmem>>, vector<128x512xbf16>
    %dot_general3A = arith.constant dense<0.000000e+00> : vector<1000x512xf32>
    %dot_general3A_23 = tpu.matmul %convert_element_type3A, %get3A_22, %dot_general3A {dimension_numbers = #tpu.dot_dimension_numbers<[1], [0], [0], [1], [0, 0, 1, 1], [], []>, transpose_lhs_hint = false} : vector<1000x128xbf16>, vector<128x512xbf16>, vector<1000x512xf32> -> vector<1000x512xf32>
    %get3A_24 = arith.constant 0 : index
    %get3A_25 = arith.constant 0 : index
    %get3A_26 = vector.load %arg5[%get3A_24, %get3A_25] : memref<1x512xf32, #tpu.memory_space<vmem>>, vector<1x512xf32>
    %add3A_27 = vector.broadcast %get3A_26 : vector<1x512xf32> to vector<1000x512xf32>
    %add3A_28 = arith.addf %dot_general3A_23, %add3A_27 : vector<1000x512xf32>
    %max3A = arith.constant 0.000000e+00 : f32
    %max3A_29 = vector.broadcast %max3A : f32 to vector<1000x512xf32>
    %max3A_30 = arith.maximumf %add3A_28, %max3A_29 : vector<1000x512xf32>
    %convert_element_type3A_31 = arith.truncf %max3A_30 : vector<1000x512xf32> to vector<1000x512xbf16>
    %get3A_32 = arith.constant 0 : index
    %get3A_33 = arith.constant 0 : index
    %get3A_34 = vector.load %arg6[%get3A_32, %get3A_33] : memref<512x256xbf16, #tpu.memory_space<vmem>>, vector<512x256xbf16>
    %dot_general3A_35 = arith.constant dense<0.000000e+00> : vector<1000x256xf32>
    %dot_general3A_36 = tpu.matmul %convert_element_type3A_31, %get3A_34, %dot_general3A_35 {dimension_numbers = #tpu.dot_dimension_numbers<[1], [0], [0], [1], [0, 0, 1, 1], [], []>, transpose_lhs_hint = false} : vector<1000x512xbf16>, vector<512x256xbf16>, vector<1000x256xf32> -> vector<1000x256xf32>
    %mul3A_37 = vector.broadcast %get3A_1 : vector<1000x1xf32> to vector<1000x256xf32>
    %mul3A_38 = arith.mulf %mul3A_37, %dot_general3A_36 : vector<1000x256xf32>
    %swap3A = arith.constant 0 : index
    %swap3A_39 = arith.constant 0 : index
    %swap3A_40 = vector.load %arg7[%swap3A, %swap3A_39] : memref<1000x256xf32, #tpu.memory_space<vmem>>, vector<1000x256xf32>
    tpu.vector_store %arg7[%swap3A, %swap3A_39], %mul3A_38 {strides = array<i32>} : memref<1000x256xf32, #tpu.memory_space<vmem>>, vector<1000x256xf32>,
    return
  }
  func.func @transform_0(%arg0: i32) -> (i32, i32, i32) {
    %c0_i32 = arith.constant 0 : i32
    %c0_i32_0 = arith.constant 0 : i32
    %c0_i32_1 = arith.constant 0 : i32
    return %c0_i32, %arg0, %c0_i32_0 : i32, i32, i32
  }
  func.func @transform_1(%arg0: i32) -> (i32, i32) {
    %c0_i32 = arith.constant 0 : i32
    %c0_i32_0 = arith.constant 0 : i32
    return %arg0, %c0_i32 : i32, i32
  }
  func.func @transform_2(%arg0: i32) -> (i32, i32) {
    %c0_i32 = arith.constant 0 : i32
    %c0_i32_0 = arith.constant 0 : i32
    return %arg0, %c0_i32 : i32, i32
  }
  func.func @transform_3(%arg0: i32) -> (i32, i32) {
    %c0_i32 = arith.constant 0 : i32
    %c0_i32_0 = arith.constant 0 : i32
    %c0_i32_1 = arith.constant 0 : i32
    return %c0_i32, %c0_i32_0 : i32, i32
  }
  func.func @transform_4(%arg0: i32) -> (i32, i32) {
    %c0_i32 = arith.constant 0 : i32
    %c0_i32_0 = arith.constant 0 : i32
    %c0_i32_1 = arith.constant 0 : i32
    return %c0_i32, %c0_i32_0 : i32, i32
  }
  func.func @transform_5(%arg0: i32) -> (i32, i32) {
    %c0_i32 = arith.constant 0 : i32
    %c0_i32_0 = arith.constant 0 : i32
    %c0_i32_1 = arith.constant 0 : i32
    return %c0_i32, %c0_i32_0 : i32, i32
  }
  func.func @transform_6(%arg0: i32) -> (i32, i32) {
    %c0_i32 = arith.constant 0 : i32
    %c0_i32_0 = arith.constant 0 : i32
    return %arg0, %c0_i32 : i32, i32
  }
}

module attributes {stable_mosaic.version = 14 : i64} {
  func.func @body(%arg0: i32, %arg1: memref<2x1000x128xf32, #tpu.memory_space<vmem>>, %arg2: memref<1000x256xf32, #tpu.memory_space<vmem>>, %arg3: memref<1000x1xf32, #tpu.memory_space<vmem>>, %arg4: memref<1x256xf32, #tpu.memory_space<vmem>>, %arg5: memref<1000x250xf32, #tpu.memory_space<vmem>>) attributes {dimension_semantics = [#tpu.dimension_semantics<arbitrary>], iteration_bounds = array<i64: 10>, scalar_prefetch = 0 : i64, scratch_operands = 0 : i64, tpu.core_type = #tpu.core_type<tc>, window_params = [{transform_indices = @transform_0, window_bounds = array<i64: 2, 1000, 128>}, {transform_indices = @transform_1, window_bounds = array<i64: 1000, 256>}, {transform_indices = @transform_2, window_bounds = array<i64: 1000, 1>}, {pipeline_mode = #tpu.pipeline_mode<synchronous>, transform_indices = @transform_3, window_bounds = array<i64: 1, 256>}, {transform_indices = @transform_4, window_bounds = array<i64: 1000, 250>}]} {
    %get3A = arith.constant 0 : index
    %get3A_0 = arith.constant 0 : index
    %get3A_1 = vector.load %arg3[%get3A, %get3A_0] : memref<1000x1xf32, #tpu.memory_space<vmem>>, vector<1000x1xf32>
    %get3A_2 = arith.constant 0 : index
    %get3A_3 = arith.constant 0 : index
    %get3A_4 = arith.constant 0 : index
    %get3A_5 = vector.load %arg1[%get3A_2, %get3A_3, %get3A_4] : memref<2x1000x128xf32, #tpu.memory_space<vmem>>, vector<1x1000x128xf32>
    %get3A_6 = vector.shape_cast %get3A_5 : vector<1x1000x128xf32> to vector<1000x128xf32>
    %get3A_7 = arith.constant 1 : index
    %get3A_8 = arith.constant 0 : index
    %get3A_9 = arith.constant 0 : index
    %get3A_10 = vector.load %arg1[%get3A_7, %get3A_8, %get3A_9] : memref<2x1000x128xf32, #tpu.memory_space<vmem>>, vector<1x1000x128xf32>
    %get3A_11 = vector.shape_cast %get3A_10 : vector<1x1000x128xf32> to vector<1000x128xf32>
    %concatenate3A = tpu.concatenate %get3A_6, %get3A_11 in 1 : vector<1000x128xf32>, vector<1000x128xf32> -> vector<1000x256xf32>
    %get3A_12 = arith.constant 0 : index
    %get3A_13 = arith.constant 0 : index
    %get3A_14 = vector.load %arg2[%get3A_12, %get3A_13] : memref<1000x256xf32, #tpu.memory_space<vmem>>, vector<1000x256xf32>
    %add3A = arith.addf %concatenate3A, %get3A_14 : vector<1000x256xf32>
    %mul3A = vector.broadcast %get3A_1 : vector<1000x1xf32> to vector<1000x256xf32>
    %mul3A_15 = arith.mulf %mul3A, %add3A : vector<1000x256xf32>
    %get3A_16 = arith.constant 0 : index
    %get3A_17 = arith.constant 0 : index
    %get3A_18 = vector.load %arg4[%get3A_16, %get3A_17] : memref<1x256xf32, #tpu.memory_space<vmem>>, vector<1x256xf32>
    %add3A_19 = vector.broadcast %get3A_18 : vector<1x256xf32> to vector<1000x256xf32>
    %add3A_20 = arith.addf %mul3A_15, %add3A_19 : vector<1000x256xf32>
    %max3A = arith.constant 0.000000e+00 : f32
    %max3A_21 = vector.broadcast %max3A : f32 to vector<1000x256xf32>
    %max3A_22 = arith.maximumf %add3A_20, %max3A_21 : vector<1000x256xf32>
    %slice3A = vector.extract_strided_slice %max3A_22 {offsets = [0, 0], sizes = [1000, 250], strides = [1, 1]} : vector<1000x256xf32> to vector<1000x250xf32>
    %swap3A = arith.constant 0 : index
    %swap3A_23 = arith.constant 0 : index
    %swap3A_24 = vector.load %arg5[%swap3A, %swap3A_23] : memref<1000x250xf32, #tpu.memory_space<vmem>>, vector<1000x250xf32>
    tpu.vector_store %arg5[%swap3A, %swap3A_23], %slice3A {strides = array<i32>} : memref<1000x250xf32, #tpu.memory_space<vmem>>, vector<1000x250xf32>,
    return
  }
  func.func @transform_0(%arg0: i32) -> (i32, i32, i32) {
    %c0_i32 = arith.constant 0 : i32
    %c0_i32_0 = arith.constant 0 : i32
    %c0_i32_1 = arith.constant 0 : i32
    return %c0_i32, %arg0, %c0_i32_0 : i32, i32, i32
  }
  func.func @transform_1(%arg0: i32) -> (i32, i32) {
    %c0_i32 = arith.constant 0 : i32
    %c0_i32_0 = arith.constant 0 : i32
    return %arg0, %c0_i32 : i32, i32
  }
  func.func @transform_2(%arg0: i32) -> (i32, i32) {
    %c0_i32 = arith.constant 0 : i32
    %c0_i32_0 = arith.constant 0 : i32
    return %arg0, %c0_i32 : i32, i32
  }
  func.func @transform_3(%arg0: i32) -> (i32, i32) {
    %c0_i32 = arith.constant 0 : i32
    %c0_i32_0 = arith.constant 0 : i32
    %c0_i32_1 = arith.constant 0 : i32
    return %c0_i32, %c0_i32_0 : i32, i32
  }
  func.func @transform_4(%arg0: i32) -> (i32, i32) {
    %c0_i32 = arith.constant 0 : i32
    %c0_i32_0 = arith.constant 0 : i32
    return %arg0, %c0_i32 : i32, i32
  }
}

</mosaic_0001>

<sc_bundles>
// kernel: kernel.11.cloned.1.call-start
scs
__scs_entry_jumppad:
0x0: {  	(pc) =	sbr.rel $0x88, $3  }
0x1: {  	(tag) =	ssettag $0x0;
	lr =	simm.s32 $0x1  }
0x2: {  	[smem:$0x3F9B] =	sst lr;
	_ =	strace $0xD0000000  }
0x3: {  	_ = 	snop  }
0x4: {  	_ = 	snop  }
0x5: {  	_ = 	snop  }
0x6: {  	_ = 	snop  }
0x7: {  	_ = 	snop  }
__scs_overlays_trampoline_lowered:
0x8: {  	[smem:$0x3FAA] =	sst s0  }
0x9: {  	[smem:$0x3FAB] =	sst s1  }
0xa: {  	[smem:$0x3FAC] =	sst s2  }
0xb: {  	[smem:$0x3FAD] =	sst s3  }
0xc: {  	[smem:$0x3FAE] =	sst s4  }
0xd: {  	[smem:$0x3FAF] =	sst s5  }
0xe: {  	[smem:$0x3FB0] =	sst s6  }
0xf: {  	[smem:$0x3FB1] =	sst s7  }
0x10: {  	[smem:$0x3FB2] =	sst s8  }
0x11: {  	[smem:$0x3FB3] =	sst s9;
	s0 =	simm.s32 @!p0 $0x0  }
0x12: {  	s1 =	sld [smem:$0x3F99];
	s0 =	simm.s32 @p0 $0x1  }
0x13: {  	[smem:$0x3FB4] =	sst s0;
	s0 =	simm.s32 @!p1 $0x0  }
0x14: {  	s2 =	sld [smem:$0x3F98];
	s0 =	simm.s32 @p1 $0x1  }
0x15: {  	[smem:$0x3FB5] =	sst s0;
	s0 =	simm.s32 @!p2 $0x0  }
0x16: {  	s3 =	sld [smem:$0x3FDB];
	s0 =	simm.s32 @p2 $0x1  }
0x17: {  	s4 =	simm.s32 $0x1BF5;
	[smem:$0x3FB7] =	sst s0  }
0x18: {  	s0 =	sld [smem:$0x3F9A];
	_ =	swait.ge [sflag:s4], $0x0  }
0x19: {  	s7 =	sld [smem:$0x3F9B]  }
0x1a: {  	s8 =	sadd.s32 $0xFFFFE003, lr  }
0x1b: {  	s9 =	sadd.s32 $0xFFFFFEF7, lr;
	s5 =	simm.s32 $0xFFFFFFFF;
	p2 =	slt.u32 s8, $0xFFFFF086  }
0x1c: {  	p1 =	slt.u32 s9, $0xF7A;
	s5 =	simm.s32 @!p2 $0x0  }
0x1d: {  	s5 =	simm.s32 @p1 $0x1;
	p0 =	seq.s32 s7, s2  }
0x1e: {  	s7 =	smul.u32 @!p0 $0xF7A, s2;
	p2 =	seq.s32 @!p0 s5, $0x0  }
0x1f: {  	s9 =	smul.u32 $0xF7A, s1;
	s8 =	simm.s32 @!p0 $0x1BF5;
	p2 =	por !p2, p0  }
0x20: {  	[sflag:s8] =	ssyncset.s32 @!p0 $0xFFFFF086;
	s6 =	sadd.s32 @!p0 s3, s7;
	s7 =	simm.s32 @!p0 $0x108  }
0x21: {  	s3 =	sadd.s32 s3, s9;
	s6 =	sadd.s32 @!p0 $0x88, s6;
	s7 =	simm.s32 @p2 $0x1082  }
0x22: {  	[simem:s7], [sflag:s8] =	dma.local @!p0 [hbm:s6], $0xF7A  }
0x23: {  	s9 =	sor.u32 $0xD0000000, s2;
	s6 =	simm.s32 $0x108;
	_ =	swait.ge @!p0 [sflag:s8], $0x0  }
0x24: {  	s3 =	sadd.s32 $0x88, s3;
	s6 =	simm.s32 @!p1 $0x1082;
	[sflag:s4] =	ssyncset.s32 $0xFFFFF086  }
0x25: {  	[simem:s6], [sflag:s4] =	dma.local [hbm:s3], $0xF7A  }
0x26: {  	[smem:$0x3F9B] =	sst s1;
	(tag) =	ssettag s2;
	_ =	strace s9  }
0x27: {  	s1 =	sld [smem:$0x3FAB]  }
0x28: {  	s2 =	sld [smem:$0x3FAC]  }
0x29: {  	s4 =	sld [smem:$0x3FAE]  }
0x2a: {  	p0 =	seq.s32 s5, $0x0;
	s5 =	sld [smem:$0x3FAF]  }
0x2b: {  	s6 =	sld [smem:$0x3FB0]  }
0x2c: {  	s7 =	sld [smem:$0x3FB1]  }
0x2d: {  	s3 =	simm.s32 $0x108;
	s8 =	sld [smem:$0x3FB2]  }
0x2e: {  	s3 =	simm.s32 @!p0 $0x1082;
	s9 =	sld [smem:$0x3FB3]  }
0x2f: {  	lr =	sadd.s32 s0, s3;
	s0 =	sld [smem:$0x3FAA]  }
0x30: {  	s3 =	sld [smem:$0x3FAD]  }
0x31: {  	[smem:$0x3FB6] =	sst s10  }
0x32: {  	s10 =	sld [smem:$0x3FB4];
	_ =	sdelay $0x3  }
0x33: {  	p0 =	seq.s32 s10, $0x1;
	s10 =	sld [smem:$0x3FB6];
	_ =	sdelay $0x3  }
0x34: {  	[smem:$0x3FB6] =	sst s10  }
0x35: {  	s10 =	sld [smem:$0x3FB5];
	_ =	sdelay $0x3  }
0x36: {  	p1 =	seq.s32 s10, $0x1;
	s10 =	sld [smem:$0x3FB6];
	_ =	sdelay $0x3  }
0x37: {  	[smem:$0x3FB6] =	sst s10  }
0x38: {  	s10 =	sld [smem:$0x3FB7]  }
0x39: {  	_ = 	snop;
	(pc) =	sbr.ind lr, $3  }
0x3a: {  	_ = 	snop  }
0x3b: {  	_ = 	snop  }
0x3c: {  	p2 =	seq.s32 s10, $0x1;
	s10 =	sld [smem:$0x3FB6]  }
0x3d: {  	_ =	shalt  }
0x3e: {  	_ =	shalt  }
0x3f: {  	_ =	shalt  }
0x40: {  	_ =	shalt  }
0x41: {  	_ =	shalt  }
0x42: {  	_ =	shalt  }
0x43: {  	_ =	shalt  }
0x44: {  	_ =	shalt  }
0x45: {  	_ =	shalt  }
0x46: {  	_ =	shalt  }
0x47: {  	_ =	shalt  }
0x48: {  	_ =	shalt  }
0x49: {  	_ =	shalt  }
0x4a: {  	_ =	shalt  }
0x4b: {  	_ =	shalt  }
0x4c: {  	_ =	shalt  }
0x4d: {  	_ =	shalt  }
0x4e: {  	_ =	shalt  }
0x4f: {  	_ =	shalt  }
0x50: {  	_ =	shalt  }
0x51: {  	_ =	shalt  }
0x52: {  	_ =	shalt  }
0x53: {  	_ =	shalt  }
0x54: {  	_ =	shalt  }
0x55: {  	_ =	shalt  }
0x56: {  	_ =	shalt  }
0x57: {  	_ =	shalt  }
0x58: {  	_ =	shalt  }
0x59: {  	_ =	shalt  }
0x5a: {  	_ =	shalt  }
0x5b: {  	_ =	shalt  }
0x5c: {  	_ =	shalt  }
0x5d: {  	_ =	shalt  }
0x5e: {  	_ =	shalt  }
0x5f: {  	_ =	shalt  }
0x60: {  	_ =	shalt  }
0x61: {  	_ =	shalt  }
0x62: {  	_ =	shalt  }
0x63: {  	_ =	shalt  }
0x64: {  	_ =	shalt  }
0x65: {  	_ =	shalt  }
0x66: {  	_ =	shalt  }
0x67: {  	_ =	shalt  }
0x68: {  	_ =	shalt  }
0x69: {  	_ =	shalt  }
0x6a: {  	_ =	shalt  }
0x6b: {  	_ =	shalt  }
0x6c: {  	_ =	shalt  }
0x6d: {  	_ =	shalt  }
0x6e: {  	_ =	shalt  }
0x6f: {  	_ =	shalt  }
0x70: {  	_ =	shalt  }
0x71: {  	_ =	shalt  }
0x72: {  	_ =	shalt  }
0x73: {  	_ =	shalt  }
0x74: {  	_ =	shalt  }
0x75: {  	_ =	shalt  }
0x76: {  	_ =	shalt  }
0x77: {  	_ =	shalt  }
0x78: {  	_ =	shalt  }
0x79: {  	_ =	shalt  }
0x7a: {  	_ =	shalt  }
0x7b: {  	_ =	shalt  }
0x7c: {  	_ =	shalt  }
0x7d: {  	_ =	shalt  }
0x7e: {  	_ =	shalt  }
0x7f: {  	_ =	shalt  }
0x80: {  	_ =	shalt  }
0x81: {  	_ =	shalt  }
0x82: {  	_ =	shalt  }
0x83: {  	_ =	shalt  }
0x84: {  	_ =	shalt  }
0x85: {  	_ =	shalt  }
0x86: {  	_ =	shalt  }
0x87: {  	_ =	shalt  }
.Lfunc_end0:
.L_simem_size_0:
called_computation.1_lowered:
.L_overlay_start_0:
0x88: {  	s2 =	sld [smem:$0x3FD9]  }
0x89: {  	s3 =	sld [smem:$0x3FFE];
	_ =	sdelay $0x1  }
0x8a: {  	s1 =	srdreg.scid  }
0x8b: {  	s0 =	sand.u32 $0x1, s1  }
0x8c: {  	s17 =	sshll.u32 s0, $0xA;
	s2 =	sadd.s32 s3, s2  }
0x8d: {  	s2 =	sadd.s32 s2, s17  }
0x8e: {  	[smem:$0x3FC2] =	sst s2  }
0x8f: {  	_ = 	snop  }
0x90: {  	s2 =	sld [smem:$0x3FD0];
	(tm) =	ssettm $0x1  }
0x91: {  	s18 =	sld [smem:$0x3FFB];
	_ =	sdelay $0x3  }
0x92: {  	_ =	strace s18  }
0x93: {  	s3 =	sld [smem:$0x3FFC];
	_ =	sdelay $0x3  }
0x94: {  	_ =	strace s3  }
0x95: {  	s3 =	sld [smem:$0x3FFD];
	_ =	sdelay $0x3  }
0x96: {  	_ =	strace s3  }
0x97: {  	_ =	strace $0x8FFFFFFF  }
0x98: {  	s19 =	sld [smem:$0x3FDB];
	_ =	sdelay $0x1  }
0x99: {  	s4 =	simm.s32 $_scs_section_size  }
0x9a: {  	s5 =	simm.s32 $_size__tile_overlayer_lowered;
	s6 =	simm.s32 $_tile_overlayer_lowered  }
0x9b: {  	s22 =	simm.s32 $0x1BFF;
	s21 =	sshll.u32 s6, $0x1;
	s3 =	sadd.s32 s4, s19  }
0x9c: {  	s7 =	simm.s32 $0x0;
	s20 =	sshll.u32 s5, $0x1;
	s5 =	sadd.s32 s21, s3  }
0x9d: {  	[timem:s7], [sflag:s22] =	dma.local [hbm:s5], s20  }
0x9e: {  	_ =	swait.ge [sflag:s22], s20  }
0x9f: {  	s4 =	ssub.s32 $0x0, s20;
	[sflag:s22] =	ssyncset.done $0x0  }
0xa0: {  	[sflag:s22] =	ssyncadd.s32 s4;
	_ =	sdelay $0x1  }
0xa1: {  	s23 =	simm.s32 $0x1B8B  }
0xa2: {  	_ =	swait.ge [sflag:s23], $0x1  }
0xa3: {  	[sflag:s23] =	ssyncset.done $0x0  }
0xa4: {  	s25 =	simm.s32 $0x1B8E;
	s24 =	sld [smem:$0x3FFE];
	[sflag:s23] =	ssyncadd.s32 $0xFFFFFFFF  }
0xa5: {  	s26 =	simm.s32 $execute0_lowered;
	[smem:$0x3FD2] =	sst s25  }
0xa6: {  	s5 =	sshll.u32 s26, $0x1;
	_ =	strace $0x80000049;
	[dreg:$0x1] =	wrdreg $0xFFFFFFFF  }
0xa7: {  	s28 =	simm.s32 $_size_execute0_lowered;
	s3 =	sadd.s32 s3, s5;
	[dreg:$0x0] =	wrdreg $0x0  }
0xa8: {  	s5 =	sshll.u32 s28, $0x1;
	[dreg:$0x2] =	wrdreg s3  }
0xa9: {  	[dreg:$0x3] =	wrdreg s5  }
0xaa: {  	[dreg:$0x4] =	wrdreg $0xC0  }
0xab: {  	_ =	task [dreg:s7], $0x5FFFF  }
0xac: {  	[dreg:$0x1] =	wrdreg $0xFFFFFFFF  }
0xad: {  	[dreg:$0x0] =	wrdreg $0x60  }
0xae: {  	[dreg:$0x2] =	wrdreg s2  }
0xaf: {  	[dreg:$0x3] =	wrdreg s24  }
0xb0: {  	[dreg:$0x4] =	wrdreg $0x0  }
0xb1: {  	[dreg:$0x5] =	wrdreg $0x9  }
0xb2: {  	_ =	task.clear_ibuf [dreg:s7], $0x6FFFF;
	_ =	strace $0x90000049  }
0xb3: {  	s29 =	simm.s32 $0x9;
	_ =	strace $0x8000004B  }
0xb4: {  	_ =	swait.ge [sflag:s29], $0x1  }
0xb5: {  	[sflag:s29] =	ssyncadd.s32 $0xFFFFFFFF  }
0xb6: {  	_ =	strace $0x9000004B  }
0xb7: {  	_ =	sfence  }
0xb8: {  	s30 =	sld [smem:$0x0];
	_ =	sdelay $0x2  }
0xb9: {  	s31 =	sshll.u32 s1, $0xD;
	s1 =	sshrl.u32 s1, $0x2  }
0xba: {  	s3 =	sand.u32 $0x4000, s31;
	s1 =	sadd.s32 s1, s30  }
0xbb: {  	s0 =	sor.u32 s3, s0;
	s1 =	sshll.u32 s1, $0x11  }
0xbc: {  	s0 =	sor.u32 s1, s0  }
0xbd: {  	s0 =	sadd.s32 $0x8F2B, s0  }
0xbe: {  	[sflag:s0] =	ssyncadd.remote.s32 $0x1  }
0xbf: {  	_ =	sfence.sel $0xFFFF  }
0xc0: {  	[dreg:$0x0] =	wrdreg $0xFFFFFFFF;
	(pc) =	sbr.abs _section_cstart, $3  }
0xc1: {  	[dreg:$0x1] =	wrdreg $0xFFFFFFFF  }
0xc2: {  	_ =	task.clear_ibuf [dreg:s7], $0x2FFFF;
	_ =	strace $0x9FFFFFFF  }
0xc3: {  	(tm) =	ssettm $0x7FFFFFFF  }
tec
execute0_lowered:
.L_overlay_start_1:
0x0: {  	(tag) =	ssettag $0x1  }
0x1: {  	s1 =	rddreg [dreg:$0x0]  }
0x2: {  	s0 =	rddreg [dreg:$0x1]  }
0x3: {  	s2 =	rddreg [dreg:$0x2]  }
0x4: {  	s3 =	srdreg.scid;
	s4 =	simm.s32 $0x0;
	s11 =	stileid.u32  }
0x5: {  	s15 =	simm.s32 $0x14000;
	s16 =	simm.s32 $0x14800;
	s17 =	simm.s32 $0x1  }
0x6: {  	s18 =	simm.s32 $0x50;
	s19 =	simm.s32 $0x15800;
	s20 =	simm.s32 $0x14050  }
0x7: {  	s21 =	simm.s32 $0x18000;
	s22 =	simm.s32 $0x140A0;
	s28 =	simm.s32 $0x2  }
0x8: {  	s29 =	simm.s32 $0x3;
	s30 =	simm.s32 $0x0;
	s3 =	sand.u32 $0x1, s3  }
0x9: {  	[smem:$0x7FF] =	sst s4;
	s8 =	smul.u32 $0x14000, s11;
	s5 =	sadd.s32 $0x1800, s0  }
0xa: {  	s6 =	sadd.s32 $0x5E400, s0;
	s23 =	sadd.s32 $0xB600, s0;
	s10 =	smul.u32 $0x50000, s11  }
0xb: {  	s31 =	sshll.u32 s11, $0x6;
	s7 =	smul.u32 $0x140000, s3;
	_ =	strace $0x8000004A  }
0xc: {  	[dreg:$0x4] =	wrdreg s23;
	s24 =	ssub.s32 $0x2, s3;
	s3 =	sshll.u32 s3, $0x4  }
0xd: {  	[dreg:$0x5] =	wrdreg s31;
	s23 =	simm.s32 $0x1A800;
	s9 =	sshrl.u32 s24, $0x1  }
0xe: {  	s3 =	sor.u32 s11, s3;
	s26 =	sshrl.u32 s10, $0x2;
	s10 =	sor.u32 $0x1C02, s31  }
.Ltmp0:
0xf: {  	s7 =	sadd.s32 s8, s7;
	s25 =	ssub.s32 s24, s9;
	(pc) =	sbr.rel .LBB2_1-.Ltmp0, $4  }
0x10: {  	s9 =	smul.u32 $0x2710, s3;
	s8 =	sadd.s32 s26, s2;
	[dreg:$0x6] =	wrdreg s10  }
0x11: {  	s11 =	smul.u32 $0x5000, s3;
	s24 =	simm.s32 $0x140F0;
	s7 =	sshrl.u32 s7, $0x3  }
0x12: {  	s26 =	simm.s32 $0x14880;
	s13 =	smax.u32 s25, $0x1;
	s0 =	sadd.s32 s7, s0  }
0x13: {  	s14 =	sshrl.u32 s8, $0x3;
	s25 =	simm.s32 $0x1D000;
	s12 =	sadd.s32 $0xDE00, s0  }
.LBB2_11:
0x14: {  	[bflag:$0x0] =	sbarrier.arrive $0xFFFF;
	s30 =	sadd.s32 $0x1, s30  }
0x15: {  	s0 =	rddreg [dreg:$0x5];
	p0 =	sne.s32 s30, s13  }
.Ltmp1:
0x16: {  	s0 =	sor.u32 $0x1C03, s0;
	(pc) =	sbr.rel @!p0 .LBB2_12-.Ltmp1, $4  }
0x17: {  	[hbm:s12], [sflag:s0] =	dma.local [spmem:s14], $0x2800  }
0x18: {  	_ =	swait.ge [sflag:s29], $0x2800  }
0x19: {  	[sflag:s29] =	ssyncset.done $0x0  }
0x1a: {  	[sflag:s29] =	ssyncadd.s32 $0xFFFFD800  }
.LBB2_1:
.Ltmp2:
0x1b: {  	(pc) =	sbr.rel .LBB2_2-.Ltmp2, $4  }
0x1c: {  	_ = 	snop  }
0x1d: {  	s0 =	rddreg [dreg:$0x4]  }
0x1e: {  	s3 =	rddreg [dreg:$0x6];
	s31 =	simm.s32 $0x0  }
0x1f: {  	[spmem:s14], [sflag:s3] =	dma.local [hbm:s0], $0x2800  }
.LBB2_10:
0x20: {  	_ =	swait.ge [sflag:s28], $0x2800  }
0x21: {  	[sflag:s28] =	ssyncset.done $0x0  }
0x22: {  	[sflag:s28] =	ssyncadd.s32 $0xFFFFD800  }
0x23: {  	_ =	swait.ge [sflag:s28], $0x2800  }
0x24: {  	[sflag:s28] =	ssyncset.done $0x0  }
0x25: {  	s31 =	sadd.s32 $0x1, s31;
	[sflag:s28] =	ssyncadd.s32 $0xFFFFD800  }
0x26: {  	p0 =	sne.s32 s31, $0x5;
	_ =	swait.ge [sflag:s28], $0x2800  }
.Ltmp3:
0x27: {  	[sflag:s28] =	ssyncset.done $0x0;
	(pc) =	sbr.rel @!p0 .LBB2_11-.Ltmp3, $4  }
0x28: {  	[sflag:s28] =	ssyncadd.s32 $0xFFFFD800  }
0x29: {  	_ =	swait.ge [sflag:s28], $0x2800  }
0x2a: {  	[sflag:s28] =	ssyncset.done $0x0  }
0x2b: {  	[sflag:s28] =	ssyncadd.s32 $0xFFFFD800  }
.LBB2_2:
0x2c: {  	s0 =	smul.u32 $0x7D0, s31;
	_ =	sdelay $0x1  }
0x2d: {  	s0 =	sadd.s32 s9, s0  }
0x2e: {  	s0 =	sshrl.u32 s0, $0x3  }
0x2f: {  	s10 =	sshll.u32 s31, $0xC;
	s0 =	sadd.s32 s5, s0  }
0x30: {  	[tilespmem:s15], [sflag:$0x1] =	stream.linear.gather [hbm4b:s0+s4], $0x7D0, $0x38;
	[tilespmem:$0x1F800] =	vst v63  }
0x31: {  	s0 =	sadd.s32 s11, s10  }
0x32: {  	s0 =	sshrl.u32 s0, $0x3  }
0x33: {  	s0 =	sadd.s32 s6, s0  }
0x34: {  	[tilespmem:s16], [sflag:$0x1] =	stream.linear.gather [hbm4b:s0+s4], $0xC80, $0x38;
	[tilespmem:$0x1F800] =	vst v63  }
0x35: {  	_ =	swait.ge [sflag:s17], $0x7D0  }
0x36: {  	[sflag:s17] =	ssyncset.done $0x0  }
0x37: {  	[sflag:s17] =	ssyncadd.s32 $0xFFFFF830  }
0x38: {  	_ =	swait.ge [sflag:s17], $0xC80  }
0x39: {  	p0 =	sne.s32 s31, $0x0;
	[sflag:s17] =	ssyncset.done $0x0  }
0x3a: {  	s0 =	simm.s32 @!p0 $0x2;
	[sflag:s17] =	ssyncadd.s32 $0xFFFFF380  }
0x3b: {  	_ =	swait.ge @!p0 [sflag:s0], $0x2800  }
0x3c: {  	[sflag:s0] =	ssyncset.done @!p0 $0x0  }
0x3d: {  	[sflag:s0] =	ssyncadd.s32 @!p0 $0xFFFFD800  }
0x3e: {  	[bflag:$0x0] =	sbarrier.arrive @!p0 $0xFFFF  }
0x3f: {  	[tilespmem:s19], [sflag:$0x1] =	stream.indirect.gather [hbm4b:s1+s18], $0x80, s15, s18, $0xb8;
	[tilespmem:$0x1F800] =	vst v63  }
0x40: {  	_ = 	snop  }
0x41: {  	[tilespmem:s21], [sflag:$0x1] =	stream.indirect.gather [hbm4b:s1+s18], $0x80, s20, s18, $0xb8;
	[tilespmem:$0x1F800] =	vst v63  }
0x42: {  	_ =	swait.ge [sflag:s17], $0x2800  }
0x43: {  	[sflag:s17] =	ssyncset.done $0x0  }
0x44: {  	[sflag:s17] =	ssyncadd.s32 $0xFFFFD800  }
0x45: {  	[tilespmem:s23], [sflag:$0x1] =	stream.indirect.gather [hbm4b:s1+s18], $0x80, s22, s18, $0xb8;
	[tilespmem:$0x1F800] =	vst v63  }
0x46: {  	_ = 	snop  }
0x47: {  	[spmem:s2] =	stream.indirect.scatter.add.f32 [tilespmem:s19], [sflag:$0x2], $0x80, s16, s18, $0xb8;
	[tilespmem:$0x1F800] =	vst v63  }
0x48: {  	_ =	swait.ge [sflag:s17], $0x2800  }
.Ltmp4:
0x49: {  	[sflag:s17] =	ssyncset.done $0x0;
	(pc) =	sbr.rel .LBB2_3-.Ltmp4, $4  }
0x4a: {  	[sflag:s17] =	ssyncadd.s32 $0xFFFFD800  }
0x4b: {  	[tilespmem:s25], [sflag:$0x1] =	stream.indirect.gather [hbm4b:s1+s18], $0x80, s24, s18, $0xb8;
	[tilespmem:$0x1F800] =	vst v63  }
0x4c: {  	s3 =	simm.s32 $0x14140;
	s7 =	simm.s32 $0x14900;
	s0 =	simm.s32 $0x2  }
0x4d: {  	[spmem:s2] =	stream.indirect.scatter.add.f32 [tilespmem:s21], [sflag:$0x2], $0x80, s26, s18, $0xb8;
	[tilespmem:$0x1F800] =	vst v63  }
.LBB2_8:
0x4e: {  	_ =	swait.ge [sflag:s28], $0x2800  }
0x4f: {  	[sflag:s28] =	ssyncset.done $0x0  }
0x50: {  	[sflag:s28] =	ssyncadd.s32 $0xFFFFD800  }
0x51: {  	[tilespmem:s8], [sflag:$0x1] =	stream.indirect.gather [hbm4b:s1+s18], $0x80, s3, s18, $0xb8;
	[tilespmem:$0x1F800] =	vst v63  }
.LBB2_9:
0x52: {  	s0 =	sadd.s32 $0x1, s0  }
0x53: {  	p0 =	sne.s32 s0, $0x19  }
.Ltmp5:
0x54: {  	_ = 	snop;
	(pc) =	sbr.rel @!p0 .LBB2_10-.Ltmp5, $3  }
0x55: {  	_ =	sdelay $0x1  }
0x56: {  	[spmem:s2] =	stream.indirect.scatter.add.f32 [tilespmem:s10], [sflag:$0x2], $0x80, s7, s18, $0xb8;
	[tilespmem:$0x1F800] =	vst v63  }
0x57: {  	s3 =	sadd.s32 $0x50, s3;
	s7 =	sadd.s32 $0x80, s7  }
.LBB2_3:
0x58: {  	s8 =	sand.u32 $0x3, s0  }
0x59: {  	p0 =	sgt.s32 s8, $0x1  }
.Ltmp6:
0x5a: {  	_ = 	snop;
	(pc) =	sbr.rel @p0 .LBB2_7-.Ltmp6, $4  }
0x5b: {  	_ = 	snop  }
0x5c: {  	_ =	swait.ge [sflag:s17], $0x2800  }
0x5d: {  	[sflag:s17] =	ssyncset.done $0x0  }
0x5e: {  	[sflag:s17] =	ssyncadd.s32 $0xFFFFD800  }
0x5f: {  	p0 =	seq.s32 s8, $0x0  }
.Ltmp7:
0x60: {  	_ = 	snop;
	(pc) =	sbr.rel @!p0 .LBB2_6-.Ltmp7, $1  }
0x61: {  	_ =	sdelay $0x3  }
0x62: {  	p0 =	slt.u32 s0, $0x17  }
.Ltmp8:
0x63: {  	_ = 	snop;
	(pc) =	sbr.rel @p0 .LBB2_8-.Ltmp8, $4  }
.Ltmp9:
0x64: {  	_ = 	snop;
	(pc) =	sbr.rel @!p0 .LBB2_9-.Ltmp9, $4  }
0x65: {  	_ = 	snop  }
0x66: {  	_ = 	snop  }
0x67: {  	s10 =	simm.s32 $0x15800;
	s8 =	simm.s32 $0x1A800  }
0x68: {  	_ = 	snop  }
.LBB2_7:
0x69: {  	p0 =	slt.u32 s0, $0x17  }
.Ltmp10:
0x6a: {  	_ = 	snop;
	(pc) =	sbr.rel @!p0 .LBB2_9-.Ltmp10, $4  }
.Ltmp11:
0x6b: {  	_ = 	snop;
	(pc) =	sbr.rel @p0 .LBB2_8-.Ltmp11, $4  }
0x6c: {  	p1 =	seq.s32 s8, $0x2  }
0x6d: {  	s10 =	simm.s32 @!p1 $0x1D000;
	s8 =	simm.s32 @!p1 $0x18000  }
0x6e: {  	s10 =	simm.s32 @p1 $0x1A800;
	s8 =	simm.s32 @p1 $0x15800  }
0x6f: {  	_ = 	snop  }
.LBB2_6:
0x70: {  	p0 =	slt.u32 s0, $0x17  }
.Ltmp12:
0x71: {  	_ = 	snop;
	(pc) =	sbr.rel @p0 .LBB2_8-.Ltmp12, $4  }
.Ltmp13:
0x72: {  	_ = 	snop;
	(pc) =	sbr.rel @!p0 .LBB2_9-.Ltmp13, $4  }
0x73: {  	_ = 	snop  }
0x74: {  	_ = 	snop  }
0x75: {  	s10 =	simm.s32 $0x18000;
	s8 =	simm.s32 $0x1D000  }
0x76: {  	_ = 	snop  }
.LBB2_12:
0x77: {  	_ =	sfence.sel $0x180000  }
0x78: {  	[bflag:$0x0] =	sbarrier.arrive $0xFFFF  }
0x79: {  	_ =	strace $0x9000004A  }
0x7a: {  	s0 =	stileid.u32;
	[bflag:$0x2] =	sbarrier.arrive $0xFFFF  }
0x7b: {  	p0 =	sne.s32 s0, $0x0;
	s0 =	rddreg [dreg:$0x3]  }
0x7c: {  	s0 =	sadd.s32 @!p0 $0x100000, s0  }
0x7d: {  	[sflag:s0] =	ssyncadd.tile.s32 @!p0 $0x1;
	_ =	shalt  }
.Lfunc_end2:
_tile_overlayer_lowered:
.L_overlay_start_2:
0x7e: {  	(tag) =	ssettag $0x2  }
0x7f: {  	s0 =	rddreg [dreg:$0x0];
	s2 =	stileid.u32  }
0x80: {  	s1 =	rddreg [dreg:$0x1];
	p0 =	sne.s32 s2, $0x0  }
0x81: {  	s3 =	rddreg [dreg:$0x2];
	[bflag:$0x3] =	sbarrier.arrive $0xFFFF;
	s2 =	simm.s32 @!p0 $0x1C03  }
0x82: {  	[timem:s3], [sflag:s2] =	dma.local @!p0 [hbm:s0], s1  }
0x83: {  	s0 =	simm.s32 @!p0 $0x3  }
0x84: {  	_ =	swait.ge @!p0 [sflag:s0], s1  }
0x85: {  	s1 =	ssub.s32 @!p0 $0x0, s1;
	[sflag:s0] =	ssyncset.done @!p0 $0x0  }
0x86: {  	[sflag:s0] =	ssyncadd.s32 @!p0 s1  }
0x87: {  	[bflag:$0x3] =	sbarrier.arrive $0xFFFF  }
0x88: {  	_ =	shalt  }

// kernel: kernel.14.cloned.1.call-start
scs
__scs_entry_jumppad:
0x0: {  	(pc) =	sbr.rel $0x88, $3  }
0x1: {  	(tag) =	ssettag $0x0;
	lr =	simm.s32 $0x1  }
0x2: {  	[smem:$0x3F9B] =	sst lr;
	_ =	strace $0xD0000000  }
0x3: {  	_ = 	snop  }
0x4: {  	_ = 	snop  }
0x5: {  	_ = 	snop  }
0x6: {  	_ = 	snop  }
0x7: {  	_ = 	snop  }
__scs_overlays_trampoline_lowered:
0x8: {  	[smem:$0x3FAA] =	sst s0  }
0x9: {  	[smem:$0x3FAB] =	sst s1  }
0xa: {  	[smem:$0x3FAC] =	sst s2  }
0xb: {  	[smem:$0x3FAD] =	sst s3  }
0xc: {  	[smem:$0x3FAE] =	sst s4  }
0xd: {  	[smem:$0x3FAF] =	sst s5  }
0xe: {  	[smem:$0x3FB0] =	sst s6  }
0xf: {  	[smem:$0x3FB1] =	sst s7  }
0x10: {  	[smem:$0x3FB2] =	sst s8  }
0x11: {  	[smem:$0x3FB3] =	sst s9;
	s0 =	simm.s32 @!p0 $0x0  }
0x12: {  	s1 =	sld [smem:$0x3F99];
	s0 =	simm.s32 @p0 $0x1  }
0x13: {  	[smem:$0x3FB4] =	sst s0;
	s0 =	simm.s32 @!p1 $0x0  }
0x14: {  	s2 =	sld [smem:$0x3F98];
	s0 =	simm.s32 @p1 $0x1  }
0x15: {  	[smem:$0x3FB5] =	sst s0;
	s0 =	simm.s32 @!p2 $0x0  }
0x16: {  	s3 =	sld [smem:$0x3FDB];
	s0 =	simm.s32 @p2 $0x1  }
0x17: {  	s4 =	simm.s32 $0x1BF5;
	[smem:$0x3FB7] =	sst s0  }
0x18: {  	s0 =	sld [smem:$0x3F9A];
	_ =	swait.ge [sflag:s4], $0x0  }
0x19: {  	s7 =	sld [smem:$0x3F9B]  }
0x1a: {  	s8 =	sadd.s32 $0xFFFFE003, lr  }
0x1b: {  	s9 =	sadd.s32 $0xFFFFFEF7, lr;
	s5 =	simm.s32 $0xFFFFFFFF;
	p2 =	slt.u32 s8, $0xFFFFF086  }
0x1c: {  	p1 =	slt.u32 s9, $0xF7A;
	s5 =	simm.s32 @!p2 $0x0  }
0x1d: {  	s5 =	simm.s32 @p1 $0x1;
	p0 =	seq.s32 s7, s2  }
0x1e: {  	s7 =	smul.u32 @!p0 $0xF7A, s2;
	p2 =	seq.s32 @!p0 s5, $0x0  }
0x1f: {  	s9 =	smul.u32 $0xF7A, s1;
	s8 =	simm.s32 @!p0 $0x1BF5;
	p2 =	por !p2, p0  }
0x20: {  	[sflag:s8] =	ssyncset.s32 @!p0 $0xFFFFF086;
	s6 =	sadd.s32 @!p0 s3, s7;
	s7 =	simm.s32 @!p0 $0x108  }
0x21: {  	s3 =	sadd.s32 s3, s9;
	s6 =	sadd.s32 @!p0 $0x88, s6;
	s7 =	simm.s32 @p2 $0x1082  }
0x22: {  	[simem:s7], [sflag:s8] =	dma.local @!p0 [hbm:s6], $0xF7A  }
0x23: {  	s9 =	sor.u32 $0xD0000000, s2;
	s6 =	simm.s32 $0x108;
	_ =	swait.ge @!p0 [sflag:s8], $0x0  }
0x24: {  	s3 =	sadd.s32 $0x88, s3;
	s6 =	simm.s32 @!p1 $0x1082;
	[sflag:s4] =	ssyncset.s32 $0xFFFFF086  }
0x25: {  	[simem:s6], [sflag:s4] =	dma.local [hbm:s3], $0xF7A  }
0x26: {  	[smem:$0x3F9B] =	sst s1;
	(tag) =	ssettag s2;
	_ =	strace s9  }
0x27: {  	s1 =	sld [smem:$0x3FAB]  }
0x28: {  	s2 =	sld [smem:$0x3FAC]  }
0x29: {  	s4 =	sld [smem:$0x3FAE]  }
0x2a: {  	p0 =	seq.s32 s5, $0x0;
	s5 =	sld [smem:$0x3FAF]  }
0x2b: {  	s6 =	sld [smem:$0x3FB0]  }
0x2c: {  	s7 =	sld [smem:$0x3FB1]  }
0x2d: {  	s3 =	simm.s32 $0x108;
	s8 =	sld [smem:$0x3FB2]  }
0x2e: {  	s3 =	simm.s32 @!p0 $0x1082;
	s9 =	sld [smem:$0x3FB3]  }
0x2f: {  	lr =	sadd.s32 s0, s3;
	s0 =	sld [smem:$0x3FAA]  }
0x30: {  	s3 =	sld [smem:$0x3FAD]  }
0x31: {  	[smem:$0x3FB6] =	sst s10  }
0x32: {  	s10 =	sld [smem:$0x3FB4];
	_ =	sdelay $0x3  }
0x33: {  	p0 =	seq.s32 s10, $0x1;
	s10 =	sld [smem:$0x3FB6];
	_ =	sdelay $0x3  }
0x34: {  	[smem:$0x3FB6] =	sst s10  }
0x35: {  	s10 =	sld [smem:$0x3FB5];
	_ =	sdelay $0x3  }
0x36: {  	p1 =	seq.s32 s10, $0x1;
	s10 =	sld [smem:$0x3FB6];
	_ =	sdelay $0x3  }
0x37: {  	[smem:$0x3FB6] =	sst s10  }
0x38: {  	s10 =	sld [smem:$0x3FB7]  }
0x39: {  	_ = 	snop;
	(pc) =	sbr.ind lr, $3  }
0x3a: {  	_ = 	snop  }
0x3b: {  	_ = 	snop  }
0x3c: {  	p2 =	seq.s32 s10, $0x1;
	s10 =	sld [smem:$0x3FB6]  }
0x3d: {  	_ =	shalt  }
0x3e: {  	_ =	shalt  }
0x3f: {  	_ =	shalt  }
0x40: {  	_ =	shalt  }
0x41: {  	_ =	shalt  }
0x42: {  	_ =	shalt  }
0x43: {  	_ =	shalt  }
0x44: {  	_ =	shalt  }
0x45: {  	_ =	shalt  }
0x46: {  	_ =	shalt  }
0x47: {  	_ =	shalt  }
0x48: {  	_ =	shalt  }
0x49: {  	_ =	shalt  }
0x4a: {  	_ =	shalt  }
0x4b: {  	_ =	shalt  }
0x4c: {  	_ =	shalt  }
0x4d: {  	_ =	shalt  }
0x4e: {  	_ =	shalt  }
0x4f: {  	_ =	shalt  }
0x50: {  	_ =	shalt  }
0x51: {  	_ =	shalt  }
0x52: {  	_ =	shalt  }
0x53: {  	_ =	shalt  }
0x54: {  	_ =	shalt  }
0x55: {  	_ =	shalt  }
0x56: {  	_ =	shalt  }
0x57: {  	_ =	shalt  }
0x58: {  	_ =	shalt  }
0x59: {  	_ =	shalt  }
0x5a: {  	_ =	shalt  }
0x5b: {  	_ =	shalt  }
0x5c: {  	_ =	shalt  }
0x5d: {  	_ =	shalt  }
0x5e: {  	_ =	shalt  }
0x5f: {  	_ =	shalt  }
0x60: {  	_ =	shalt  }
0x61: {  	_ =	shalt  }
0x62: {  	_ =	shalt  }
0x63: {  	_ =	shalt  }
0x64: {  	_ =	shalt  }
0x65: {  	_ =	shalt  }
0x66: {  	_ =	shalt  }
0x67: {  	_ =	shalt  }
0x68: {  	_ =	shalt  }
0x69: {  	_ =	shalt  }
0x6a: {  	_ =	shalt  }
0x6b: {  	_ =	shalt  }
0x6c: {  	_ =	shalt  }
0x6d: {  	_ =	shalt  }
0x6e: {  	_ =	shalt  }
0x6f: {  	_ =	shalt  }
0x70: {  	_ =	shalt  }
0x71: {  	_ =	shalt  }
0x72: {  	_ =	shalt  }
0x73: {  	_ =	shalt  }
0x74: {  	_ =	shalt  }
0x75: {  	_ =	shalt  }
0x76: {  	_ =	shalt  }
0x77: {  	_ =	shalt  }
0x78: {  	_ =	shalt  }
0x79: {  	_ =	shalt  }
0x7a: {  	_ =	shalt  }
0x7b: {  	_ =	shalt  }
0x7c: {  	_ =	shalt  }
0x7d: {  	_ =	shalt  }
0x7e: {  	_ =	shalt  }
0x7f: {  	_ =	shalt  }
0x80: {  	_ =	shalt  }
0x81: {  	_ =	shalt  }
0x82: {  	_ =	shalt  }
0x83: {  	_ =	shalt  }
0x84: {  	_ =	shalt  }
0x85: {  	_ =	shalt  }
0x86: {  	_ =	shalt  }
0x87: {  	_ =	shalt  }
.Lfunc_end0:
.L_simem_size_0:
called_computation.2_lowered:
.L_overlay_start_0:
0x88: {  	s2 =	sld [smem:$0x3FD9]  }
0x89: {  	s3 =	sld [smem:$0x3FFE];
	_ =	sdelay $0x1  }
0x8a: {  	s1 =	srdreg.scid  }
0x8b: {  	s0 =	sand.u32 $0x1, s1  }
0x8c: {  	s17 =	sshll.u32 s0, $0xA;
	s2 =	sadd.s32 s3, s2  }
0x8d: {  	s2 =	sadd.s32 s2, s17  }
0x8e: {  	[smem:$0x3FC2] =	sst s2  }
0x8f: {  	_ = 	snop  }
0x90: {  	s2 =	sld [smem:$0x3FD0];
	(tm) =	ssettm $0x1  }
0x91: {  	s18 =	sld [smem:$0x3FFB];
	_ =	sdelay $0x3  }
0x92: {  	_ =	strace s18  }
0x93: {  	s3 =	sld [smem:$0x3FFC];
	_ =	sdelay $0x3  }
0x94: {  	_ =	strace s3  }
0x95: {  	s3 =	sld [smem:$0x3FFD];
	_ =	sdelay $0x3  }
0x96: {  	_ =	strace s3  }
0x97: {  	_ =	strace $0x8FFFFFFF  }
0x98: {  	s19 =	sld [smem:$0x3FDB];
	_ =	sdelay $0x1  }
0x99: {  	s4 =	simm.s32 $_scs_section_size  }
0x9a: {  	s5 =	simm.s32 $_size__tile_overlayer_lowered;
	s6 =	simm.s32 $_tile_overlayer_lowered  }
0x9b: {  	s22 =	simm.s32 $0x1BFF;
	s21 =	sshll.u32 s6, $0x1;
	s3 =	sadd.s32 s4, s19  }
0x9c: {  	s7 =	simm.s32 $0x0;
	s20 =	sshll.u32 s5, $0x1;
	s5 =	sadd.s32 s21, s3  }
0x9d: {  	[timem:s7], [sflag:s22] =	dma.local [hbm:s5], s20  }
0x9e: {  	_ =	swait.ge [sflag:s22], s20  }
0x9f: {  	s4 =	ssub.s32 $0x0, s20;
	[sflag:s22] =	ssyncset.done $0x0  }
0xa0: {  	[sflag:s22] =	ssyncadd.s32 s4;
	_ =	sdelay $0x1  }
0xa1: {  	s23 =	simm.s32 $0x1B8B  }
0xa2: {  	_ =	swait.ge [sflag:s23], $0x1  }
0xa3: {  	[sflag:s23] =	ssyncset.done $0x0  }
0xa4: {  	s25 =	simm.s32 $0x1B8E;
	s24 =	sld [smem:$0x3FFE];
	[sflag:s23] =	ssyncadd.s32 $0xFFFFFFFF  }
0xa5: {  	s26 =	simm.s32 $execute0_lowered;
	[smem:$0x3FD2] =	sst s25  }
0xa6: {  	s5 =	sshll.u32 s26, $0x1;
	_ =	strace $0x8000004C;
	[dreg:$0x1] =	wrdreg $0xFFFFFFFF  }
0xa7: {  	s28 =	simm.s32 $_size_execute0_lowered;
	s3 =	sadd.s32 s3, s5;
	[dreg:$0x0] =	wrdreg $0x0  }
0xa8: {  	s5 =	sshll.u32 s28, $0x1;
	[dreg:$0x2] =	wrdreg s3  }
0xa9: {  	[dreg:$0x3] =	wrdreg s5  }
0xaa: {  	[dreg:$0x4] =	wrdreg $0xC0  }
0xab: {  	_ =	task [dreg:s7], $0x5FFFF  }
0xac: {  	[dreg:$0x1] =	wrdreg $0xFFFFFFFF  }
0xad: {  	[dreg:$0x0] =	wrdreg $0x60  }
0xae: {  	[dreg:$0x2] =	wrdreg s2  }
0xaf: {  	[dreg:$0x3] =	wrdreg s24  }
0xb0: {  	[dreg:$0x4] =	wrdreg $0x0  }
0xb1: {  	[dreg:$0x5] =	wrdreg $0x9  }
0xb2: {  	_ =	task.clear_ibuf [dreg:s7], $0x6FFFF;
	_ =	strace $0x9000004C  }
0xb3: {  	s29 =	simm.s32 $0x9;
	_ =	strace $0x8000004E  }
0xb4: {  	_ =	swait.ge [sflag:s29], $0x1  }
0xb5: {  	[sflag:s29] =	ssyncadd.s32 $0xFFFFFFFF  }
0xb6: {  	_ =	strace $0x9000004E  }
0xb7: {  	_ =	sfence  }
0xb8: {  	s30 =	sld [smem:$0x0];
	_ =	sdelay $0x2  }
0xb9: {  	s31 =	sshll.u32 s1, $0xD;
	s1 =	sshrl.u32 s1, $0x2  }
0xba: {  	s3 =	sand.u32 $0x4000, s31;
	s1 =	sadd.s32 s1, s30  }
0xbb: {  	s0 =	sor.u32 s3, s0;
	s1 =	sshll.u32 s1, $0x11  }
0xbc: {  	s0 =	sor.u32 s1, s0  }
0xbd: {  	s0 =	sadd.s32 $0x8F2B, s0  }
0xbe: {  	[sflag:s0] =	ssyncadd.remote.s32 $0x1  }
0xbf: {  	_ =	sfence.sel $0xFFFF  }
0xc0: {  	[dreg:$0x0] =	wrdreg $0xFFFFFFFF;
	(pc) =	sbr.abs _section_cstart, $3  }
0xc1: {  	[dreg:$0x1] =	wrdreg $0xFFFFFFFF  }
0xc2: {  	_ =	task.clear_ibuf [dreg:s7], $0x2FFFF;
	_ =	strace $0x9FFFFFFF  }
0xc3: {  	(tm) =	ssettm $0x7FFFFFFF  }
tec
execute0_lowered:
.L_overlay_start_1:
0x0: {  	(tag) =	ssettag $0x1  }
0x1: {  	s1 =	rddreg [dreg:$0x0]  }
0x2: {  	s0 =	rddreg [dreg:$0x1]  }
0x3: {  	s2 =	rddreg [dreg:$0x2];
	s3 =	srdreg.scid  }
0x4: {  	s4 =	simm.s32 $0x0;
	s11 =	stileid.u32;
	s15 =	simm.s32 $0x14000  }
0x5: {  	s16 =	simm.s32 $0x14800;
	s17 =	simm.s32 $0x1;
	s18 =	simm.s32 $0x50  }
0x6: {  	s19 =	simm.s32 $0x15800;
	s20 =	simm.s32 $0x14050;
	s21 =	simm.s32 $0x18000  }
0x7: {  	s22 =	simm.s32 $0x140A0;
	s23 =	simm.s32 $0x1A800;
	s24 =	simm.s32 $0x140F0  }
0x8: {  	s28 =	simm.s32 $0x2;
	s29 =	simm.s32 $0x3;
	s30 =	simm.s32 $0x0  }
0x9: {  	s3 =	sand.u32 $0x1, s3;
	[smem:$0x7FF] =	sst s4;
	s8 =	smul.u32 $0x14000, s11  }
0xa: {  	s5 =	sadd.s32 $0x1800, s0;
	s6 =	sadd.s32 $0x72400, s0;
	s10 =	smul.u32 $0x50000, s11  }
0xb: {  	s12 =	sadd.s32 $0xB600, s0;
	s7 =	smul.u32 $0x140000, s3;
	s25 =	ssub.s32 $0x2, s3  }
0xc: {  	_ =	strace $0x8000004D;
	[dreg:$0x4] =	wrdreg s12;
	s9 =	sshrl.u32 s25, $0x1  }
0xd: {  	s10 =	sshrl.u32 s10, $0x2;
	s26 =	ssub.s32 s25, s9;
	s9 =	smul.u32 $0x4E20, s11  }
.Ltmp0:
0xe: {  	s7 =	sadd.s32 s8, s7;
	s8 =	sshll.u32 s11, $0x6;
	(pc) =	sbr.rel .LBB2_1-.Ltmp0, $4  }
0xf: {  	s10 =	sadd.s32 s10, s2;
	s11 =	smul.u32 $0xA000, s11;
	s7 =	sshrl.u32 s7, $0x3  }
0x10: {  	s25 =	simm.s32 $0x1D000;
	s31 =	sor.u32 $0x1C02, s8;
	s0 =	sadd.s32 s7, s0  }
0x11: {  	s13 =	smax.u32 s26, $0x1;
	[dreg:$0x5] =	wrdreg s31;
	s0 =	sadd.s32 $0xDE00, s0  }
0x12: {  	v0 =	vmov s3;
	s14 =	sshrl.u32 s10, $0x3;
	s26 =	simm.s32 $0x14880;
	[dreg:$0x6] =	wrdreg s0  }
.LBB2_13:
0x13: {  	s30 =	sadd.s32 $0x1, s30  }
0x14: {  	[bflag:$0x0] =	sbarrier.arrive $0xFFFF;
	p0 =	sne.s32 s30, s13  }
.Ltmp1:
0x15: {  	s0 =	sor.u32 $0x1C03, s8;
	s3 =	rddreg [dreg:$0x6];
	(pc) =	sbr.rel @!p0 .LBB2_14-.Ltmp1, $4  }
0x16: {  	[hbm:s3], [sflag:s0] =	dma.local [spmem:s14], $0x2800  }
0x17: {  	_ =	swait.ge [sflag:s29], $0x2800  }
0x18: {  	[sflag:s29] =	ssyncset.done $0x0  }
0x19: {  	[sflag:s29] =	ssyncadd.s32 $0xFFFFD800  }
.LBB2_1:
.Ltmp2:
0x1a: {  	(pc) =	sbr.rel .LBB2_2-.Ltmp2, $4  }
0x1b: {  	_ = 	snop  }
0x1c: {  	s0 =	rddreg [dreg:$0x4]  }
0x1d: {  	s3 =	rddreg [dreg:$0x5];
	s31 =	simm.s32 $0x0  }
0x1e: {  	[spmem:s14], [sflag:s3] =	dma.local [hbm:s0], $0x2800  }
.LBB2_12:
0x1f: {  	_ =	swait.ge [sflag:s28], $0x2800  }
0x20: {  	[sflag:s28] =	ssyncset.done $0x0  }
0x21: {  	[sflag:s28] =	ssyncadd.s32 $0xFFFFD800  }
0x22: {  	_ =	swait.ge [sflag:s28], $0x2800  }
0x23: {  	[sflag:s28] =	ssyncset.done $0x0  }
0x24: {  	s31 =	sadd.s32 $0x1, s31;
	[sflag:s28] =	ssyncadd.s32 $0xFFFFD800  }
0x25: {  	p0 =	sne.s32 s31, $0xA;
	_ =	swait.ge [sflag:s28], $0x2800  }
.Ltmp3:
0x26: {  	[sflag:s28] =	ssyncset.done $0x0;
	(pc) =	sbr.rel @!p0 .LBB2_13-.Ltmp3, $4  }
0x27: {  	[sflag:s28] =	ssyncadd.s32 $0xFFFFD800  }
0x28: {  	_ =	swait.ge [sflag:s28], $0x2800  }
0x29: {  	[sflag:s28] =	ssyncset.done $0x0  }
0x2a: {  	[sflag:s28] =	ssyncadd.s32 $0xFFFFD800  }
.LBB2_2:
0x2b: {  	s0 =	smul.u32 $0x7D0, s31;
	_ =	sdelay $0x1  }
0x2c: {  	s0 =	sadd.s32 s9, s0  }
0x2d: {  	s0 =	sshrl.u32 s0, $0x3  }
0x2e: {  	s12 =	sshll.u32 s31, $0xC;
	s0 =	sadd.s32 s5, s0  }
0x2f: {  	[tilespmem:s15], [sflag:$0x1] =	stream.linear.gather [hbm4b:s0+s4], $0x7D0, $0x38;
	[tilespmem:$0x1F800] =	vst v63  }
0x30: {  	s0 =	sadd.s32 s11, s12  }
0x31: {  	s0 =	sshrl.u32 s0, $0x3  }
0x32: {  	s0 =	sadd.s32 s6, s0  }
0x33: {  	[tilespmem:s16], [sflag:$0x1] =	stream.linear.gather [hbm4b:s0+s4], $0xC80, $0x38;
	[tilespmem:$0x1F800] =	vst v63  }
0x34: {  	_ =	swait.ge [sflag:s17], $0x7D0  }
0x35: {  	[sflag:s17] =	ssyncset.done $0x0  }
0x36: {  	[sflag:s17] =	ssyncadd.s32 $0xFFFFF830  }
0x37: {  	_ =	swait.ge [sflag:s17], $0xC80  }
0x38: {  	p0 =	sne.s32 s31, $0x0;
	[sflag:s17] =	ssyncset.done $0x0  }
0x39: {  	s0 =	simm.s32 @!p0 $0x2;
	[sflag:s17] =	ssyncadd.s32 $0xFFFFF380  }
0x3a: {  	_ =	swait.ge @!p0 [sflag:s0], $0x2800  }
0x3b: {  	[sflag:s0] =	ssyncset.done @!p0 $0x0  }
0x3c: {  	[sflag:s0] =	ssyncadd.s32 @!p0 $0xFFFFD800  }
0x3d: {  	s3 =	simm.s32 $0x40;
	s0 =	simm.s32 $0x0;
	[bflag:$0x0] =	sbarrier.arrive @!p0 $0xFFFF  }
.LBB2_3:
0x3e: {  	p0 =	sne.s32 s3, $0x1F00;
	v1 =	vld [tilespmem:s0+$0x14000];
	_ =	sdelay $0x2  }
.Ltmp4:
0x3f: {  	(pc) =	sbr.rel @p0 .LBB2_3-.Ltmp4, $4  }
0x40: {  	_ = 	snop  }
0x41: {  	v1 =	vshll.u32 v1, $0x1  }
0x42: {  	v1 =	vor.u32 v0, v1  }
0x43: {  	[tilespmem:s0+$0x14000] =	vst v1;
	s0 =	sshra.s32 s3, $0x2;
	s3 =	sadd.s32 $0x40, s3  }
0x44: {  	v1 =	vld [tilespmem:s0+$0x14000];
	_ =	sdelay $0x4  }
0x45: {  	v1 =	vshll.u32 v1, $0x1  }
0x46: {  	v1 =	vor.u32 v0, v1  }
0x47: {  	[tilespmem:s0+$0x14000] =	vst v1  }
0x48: {  	[tilespmem:s19], [sflag:$0x1] =	stream.indirect.gather [hbm4b:s1+s18], $0x80, s15, s18, $0xb8;
	[tilespmem:$0x1F800] =	vst v63  }
0x49: {  	_ = 	snop  }
0x4a: {  	[tilespmem:s21], [sflag:$0x1] =	stream.indirect.gather [hbm4b:s1+s18], $0x80, s20, s18, $0xb8;
	[tilespmem:$0x1F800] =	vst v63  }
0x4b: {  	_ =	swait.ge [sflag:s17], $0x2800  }
0x4c: {  	[sflag:s17] =	ssyncset.done $0x0  }
0x4d: {  	[sflag:s17] =	ssyncadd.s32 $0xFFFFD800  }
0x4e: {  	[tilespmem:s23], [sflag:$0x1] =	stream.indirect.gather [hbm4b:s1+s18], $0x80, s22, s18, $0xb8;
	[tilespmem:$0x1F800] =	vst v63  }
0x4f: {  	_ = 	snop  }
0x50: {  	[spmem:s2] =	stream.indirect.scatter.add.f32 [tilespmem:s19], [sflag:$0x2], $0x80, s16, s18, $0xb8;
	[tilespmem:$0x1F800] =	vst v63  }
0x51: {  	_ =	swait.ge [sflag:s17], $0x2800  }
.Ltmp5:
0x52: {  	[sflag:s17] =	ssyncset.done $0x0;
	(pc) =	sbr.rel .LBB2_5-.Ltmp5, $4  }
0x53: {  	[sflag:s17] =	ssyncadd.s32 $0xFFFFD800  }
0x54: {  	[tilespmem:s25], [sflag:$0x1] =	stream.indirect.gather [hbm4b:s1+s18], $0x80, s24, s18, $0xb8;
	[tilespmem:$0x1F800] =	vst v63  }
0x55: {  	s3 =	simm.s32 $0x14140;
	s7 =	simm.s32 $0x14900;
	s0 =	simm.s32 $0x2  }
0x56: {  	[spmem:s2] =	stream.indirect.scatter.add.f32 [tilespmem:s21], [sflag:$0x2], $0x80, s26, s18, $0xb8;
	[tilespmem:$0x1F800] =	vst v63  }
.LBB2_10:
0x57: {  	_ =	swait.ge [sflag:s28], $0x2800  }
0x58: {  	[sflag:s28] =	ssyncset.done $0x0  }
0x59: {  	[sflag:s28] =	ssyncadd.s32 $0xFFFFD800  }
0x5a: {  	[tilespmem:s12], [sflag:$0x1] =	stream.indirect.gather [hbm4b:s1+s18], $0x80, s3, s18, $0xb8;
	[tilespmem:$0x1F800] =	vst v63  }
.LBB2_11:
0x5b: {  	s0 =	sadd.s32 $0x1, s0  }
0x5c: {  	p0 =	sne.s32 s0, $0x19  }
.Ltmp6:
0x5d: {  	_ = 	snop;
	(pc) =	sbr.rel @!p0 .LBB2_12-.Ltmp6, $3  }
0x5e: {  	_ =	sdelay $0x1  }
0x5f: {  	[spmem:s2] =	stream.indirect.scatter.add.f32 [tilespmem:s10], [sflag:$0x2], $0x80, s7, s18, $0xb8;
	[tilespmem:$0x1F800] =	vst v63  }
0x60: {  	s3 =	sadd.s32 $0x50, s3;
	s7 =	sadd.s32 $0x80, s7  }
.LBB2_5:
0x61: {  	s10 =	sand.u32 $0x3, s0  }
0x62: {  	p0 =	sgt.s32 s10, $0x1  }
.Ltmp7:
0x63: {  	_ = 	snop;
	(pc) =	sbr.rel @p0 .LBB2_9-.Ltmp7, $4  }
0x64: {  	_ = 	snop  }
0x65: {  	_ =	swait.ge [sflag:s17], $0x2800  }
0x66: {  	[sflag:s17] =	ssyncset.done $0x0  }
0x67: {  	[sflag:s17] =	ssyncadd.s32 $0xFFFFD800  }
0x68: {  	p0 =	seq.s32 s10, $0x0  }
.Ltmp8:
0x69: {  	_ = 	snop;
	(pc) =	sbr.rel @!p0 .LBB2_8-.Ltmp8, $1  }
0x6a: {  	_ =	sdelay $0x3  }
0x6b: {  	p0 =	slt.u32 s0, $0x17  }
.Ltmp9:
0x6c: {  	_ = 	snop;
	(pc) =	sbr.rel @p0 .LBB2_10-.Ltmp9, $4  }
.Ltmp10:
0x6d: {  	_ = 	snop;
	(pc) =	sbr.rel @!p0 .LBB2_11-.Ltmp10, $4  }
0x6e: {  	_ = 	snop  }
0x6f: {  	_ = 	snop  }
0x70: {  	s10 =	simm.s32 $0x15800;
	s12 =	simm.s32 $0x1A800  }
0x71: {  	_ = 	snop  }
.LBB2_9:
0x72: {  	p0 =	slt.u32 s0, $0x17  }
.Ltmp11:
0x73: {  	_ = 	snop;
	(pc) =	sbr.rel @!p0 .LBB2_11-.Ltmp11, $4  }
.Ltmp12:
0x74: {  	_ = 	snop;
	(pc) =	sbr.rel @p0 .LBB2_10-.Ltmp12, $4  }
0x75: {  	p1 =	seq.s32 s10, $0x2  }
0x76: {  	s10 =	simm.s32 @!p1 $0x1D000;
	s12 =	simm.s32 @!p1 $0x18000  }
0x77: {  	s10 =	simm.s32 @p1 $0x1A800;
	s12 =	simm.s32 @p1 $0x15800  }
0x78: {  	_ = 	snop  }
.LBB2_8:
0x79: {  	p0 =	slt.u32 s0, $0x17  }
.Ltmp13:
0x7a: {  	_ = 	snop;
	(pc) =	sbr.rel @p0 .LBB2_10-.Ltmp13, $4  }
.Ltmp14:
0x7b: {  	_ = 	snop;
	(pc) =	sbr.rel @!p0 .LBB2_11-.Ltmp14, $4  }
0x7c: {  	_ = 	snop  }
0x7d: {  	_ = 	snop  }
0x7e: {  	s10 =	simm.s32 $0x18000;
	s12 =	simm.s32 $0x1D000  }
0x7f: {  	_ = 	snop  }
.LBB2_14:
0x80: {  	_ =	sfence.sel $0x180000  }
0x81: {  	[bflag:$0x0] =	sbarrier.arrive $0xFFFF  }
0x82: {  	_ =	strace $0x9000004D  }
0x83: {  	s0 =	stileid.u32;
	[bflag:$0x2] =	sbarrier.arrive $0xFFFF  }
0x84: {  	p0 =	sne.s32 s0, $0x0;
	s0 =	rddreg [dreg:$0x3]  }
0x85: {  	s0 =	sadd.s32 @!p0 $0x100000, s0  }
0x86: {  	[sflag:s0] =	ssyncadd.tile.s32 @!p0 $0x1;
	_ =	shalt  }
.Lfunc_end2:
_tile_overlayer_lowered:
.L_overlay_start_2:
0x87: {  	(tag) =	ssettag $0x2  }
0x88: {  	s0 =	rddreg [dreg:$0x0];
	s2 =	stileid.u32  }
0x89: {  	s1 =	rddreg [dreg:$0x1];
	p0 =	sne.s32 s2, $0x0  }
0x8a: {  	s3 =	rddreg [dreg:$0x2];
	[bflag:$0x3] =	sbarrier.arrive $0xFFFF;
	s2 =	simm.s32 @!p0 $0x1C03  }
0x8b: {  	[timem:s3], [sflag:s2] =	dma.local @!p0 [hbm:s0], s1  }
0x8c: {  	s0 =	simm.s32 @!p0 $0x3  }
0x8d: {  	_ =	swait.ge @!p0 [sflag:s0], s1  }
0x8e: {  	s1 =	ssub.s32 @!p0 $0x0, s1;
	[sflag:s0] =	ssyncset.done @!p0 $0x0  }
0x8f: {  	[sflag:s0] =	ssyncadd.s32 @!p0 s1  }
0x90: {  	[bflag:$0x3] =	sbarrier.arrive $0xFFFF  }
0x91: {  	_ =	shalt  }

// kernel: kernel.8.cloned.1.call-start
scs
__scs_entry_jumppad:
0x0: {  	(pc) =	sbr.rel $0x88, $3  }
0x1: {  	(tag) =	ssettag $0x0;
	lr =	simm.s32 $0x1  }
0x2: {  	[smem:$0x3F9B] =	sst lr;
	_ =	strace $0xD0000000  }
0x3: {  	_ = 	snop  }
0x4: {  	_ = 	snop  }
0x5: {  	_ = 	snop  }
0x6: {  	_ = 	snop  }
0x7: {  	_ = 	snop  }
__scs_overlays_trampoline_lowered:
0x8: {  	[smem:$0x3FAA] =	sst s0  }
0x9: {  	[smem:$0x3FAB] =	sst s1  }
0xa: {  	[smem:$0x3FAC] =	sst s2  }
0xb: {  	[smem:$0x3FAD] =	sst s3  }
0xc: {  	[smem:$0x3FAE] =	sst s4  }
0xd: {  	[smem:$0x3FAF] =	sst s5  }
0xe: {  	[smem:$0x3FB0] =	sst s6  }
0xf: {  	[smem:$0x3FB1] =	sst s7  }
0x10: {  	[smem:$0x3FB2] =	sst s8  }
0x11: {  	[smem:$0x3FB3] =	sst s9;
	s0 =	simm.s32 @!p0 $0x0  }
0x12: {  	s1 =	sld [smem:$0x3F99];
	s0 =	simm.s32 @p0 $0x1  }
0x13: {  	[smem:$0x3FB4] =	sst s0;
	s0 =	simm.s32 @!p1 $0x0  }
0x14: {  	s2 =	sld [smem:$0x3F98];
	s0 =	simm.s32 @p1 $0x1  }
0x15: {  	[smem:$0x3FB5] =	sst s0;
	s0 =	simm.s32 @!p2 $0x0  }
0x16: {  	s3 =	sld [smem:$0x3FDB];
	s0 =	simm.s32 @p2 $0x1  }
0x17: {  	s4 =	simm.s32 $0x1BF5;
	[smem:$0x3FB7] =	sst s0  }
0x18: {  	s0 =	sld [smem:$0x3F9A];
	_ =	swait.ge [sflag:s4], $0x0  }
0x19: {  	s7 =	sld [smem:$0x3F9B]  }
0x1a: {  	s8 =	sadd.s32 $0xFFFFE003, lr  }
0x1b: {  	s9 =	sadd.s32 $0xFFFFFEF7, lr;
	s5 =	simm.s32 $0xFFFFFFFF;
	p2 =	slt.u32 s8, $0xFFFFF086  }
0x1c: {  	p1 =	slt.u32 s9, $0xF7A;
	s5 =	simm.s32 @!p2 $0x0  }
0x1d: {  	s5 =	simm.s32 @p1 $0x1;
	p0 =	seq.s32 s7, s2  }
0x1e: {  	s7 =	smul.u32 @!p0 $0xF7A, s2;
	p2 =	seq.s32 @!p0 s5, $0x0  }
0x1f: {  	s9 =	smul.u32 $0xF7A, s1;
	s8 =	simm.s32 @!p0 $0x1BF5;
	p2 =	por !p2, p0  }
0x20: {  	[sflag:s8] =	ssyncset.s32 @!p0 $0xFFFFF086;
	s6 =	sadd.s32 @!p0 s3, s7;
	s7 =	simm.s32 @!p0 $0x108  }
0x21: {  	s3 =	sadd.s32 s3, s9;
	s6 =	sadd.s32 @!p0 $0x88, s6;
	s7 =	simm.s32 @p2 $0x1082  }
0x22: {  	[simem:s7], [sflag:s8] =	dma.local @!p0 [hbm:s6], $0xF7A  }
0x23: {  	s9 =	sor.u32 $0xD0000000, s2;
	s6 =	simm.s32 $0x108;
	_ =	swait.ge @!p0 [sflag:s8], $0x0  }
0x24: {  	s3 =	sadd.s32 $0x88, s3;
	s6 =	simm.s32 @!p1 $0x1082;
	[sflag:s4] =	ssyncset.s32 $0xFFFFF086  }
0x25: {  	[simem:s6], [sflag:s4] =	dma.local [hbm:s3], $0xF7A  }
0x26: {  	[smem:$0x3F9B] =	sst s1;
	(tag) =	ssettag s2;
	_ =	strace s9  }
0x27: {  	s1 =	sld [smem:$0x3FAB]  }
0x28: {  	s2 =	sld [smem:$0x3FAC]  }
0x29: {  	s4 =	sld [smem:$0x3FAE]  }
0x2a: {  	p0 =	seq.s32 s5, $0x0;
	s5 =	sld [smem:$0x3FAF]  }
0x2b: {  	s6 =	sld [smem:$0x3FB0]  }
0x2c: {  	s7 =	sld [smem:$0x3FB1]  }
0x2d: {  	s3 =	simm.s32 $0x108;
	s8 =	sld [smem:$0x3FB2]  }
0x2e: {  	s3 =	simm.s32 @!p0 $0x1082;
	s9 =	sld [smem:$0x3FB3]  }
0x2f: {  	lr =	sadd.s32 s0, s3;
	s0 =	sld [smem:$0x3FAA]  }
0x30: {  	s3 =	sld [smem:$0x3FAD]  }
0x31: {  	[smem:$0x3FB6] =	sst s10  }
0x32: {  	s10 =	sld [smem:$0x3FB4];
	_ =	sdelay $0x3  }
0x33: {  	p0 =	seq.s32 s10, $0x1;
	s10 =	sld [smem:$0x3FB6];
	_ =	sdelay $0x3  }
0x34: {  	[smem:$0x3FB6] =	sst s10  }
0x35: {  	s10 =	sld [smem:$0x3FB5];
	_ =	sdelay $0x3  }
0x36: {  	p1 =	seq.s32 s10, $0x1;
	s10 =	sld [smem:$0x3FB6];
	_ =	sdelay $0x3  }
0x37: {  	[smem:$0x3FB6] =	sst s10  }
0x38: {  	s10 =	sld [smem:$0x3FB7]  }
0x39: {  	_ = 	snop;
	(pc) =	sbr.ind lr, $3  }
0x3a: {  	_ = 	snop  }
0x3b: {  	_ = 	snop  }
0x3c: {  	p2 =	seq.s32 s10, $0x1;
	s10 =	sld [smem:$0x3FB6]  }
0x3d: {  	_ =	shalt  }
0x3e: {  	_ =	shalt  }
0x3f: {  	_ =	shalt  }
0x40: {  	_ =	shalt  }
0x41: {  	_ =	shalt  }
0x42: {  	_ =	shalt  }
0x43: {  	_ =	shalt  }
0x44: {  	_ =	shalt  }
0x45: {  	_ =	shalt  }
0x46: {  	_ =	shalt  }
0x47: {  	_ =	shalt  }
0x48: {  	_ =	shalt  }
0x49: {  	_ =	shalt  }
0x4a: {  	_ =	shalt  }
0x4b: {  	_ =	shalt  }
0x4c: {  	_ =	shalt  }
0x4d: {  	_ =	shalt  }
0x4e: {  	_ =	shalt  }
0x4f: {  	_ =	shalt  }
0x50: {  	_ =	shalt  }
0x51: {  	_ =	shalt  }
0x52: {  	_ =	shalt  }
0x53: {  	_ =	shalt  }
0x54: {  	_ =	shalt  }
0x55: {  	_ =	shalt  }
0x56: {  	_ =	shalt  }
0x57: {  	_ =	shalt  }
0x58: {  	_ =	shalt  }
0x59: {  	_ =	shalt  }
0x5a: {  	_ =	shalt  }
0x5b: {  	_ =	shalt  }
0x5c: {  	_ =	shalt  }
0x5d: {  	_ =	shalt  }
0x5e: {  	_ =	shalt  }
0x5f: {  	_ =	shalt  }
0x60: {  	_ =	shalt  }
0x61: {  	_ =	shalt  }
0x62: {  	_ =	shalt  }
0x63: {  	_ =	shalt  }
0x64: {  	_ =	shalt  }
0x65: {  	_ =	shalt  }
0x66: {  	_ =	shalt  }
0x67: {  	_ =	shalt  }
0x68: {  	_ =	shalt  }
0x69: {  	_ =	shalt  }
0x6a: {  	_ =	shalt  }
0x6b: {  	_ =	shalt  }
0x6c: {  	_ =	shalt  }
0x6d: {  	_ =	shalt  }
0x6e: {  	_ =	shalt  }
0x6f: {  	_ =	shalt  }
0x70: {  	_ =	shalt  }
0x71: {  	_ =	shalt  }
0x72: {  	_ =	shalt  }
0x73: {  	_ =	shalt  }
0x74: {  	_ =	shalt  }
0x75: {  	_ =	shalt  }
0x76: {  	_ =	shalt  }
0x77: {  	_ =	shalt  }
0x78: {  	_ =	shalt  }
0x79: {  	_ =	shalt  }
0x7a: {  	_ =	shalt  }
0x7b: {  	_ =	shalt  }
0x7c: {  	_ =	shalt  }
0x7d: {  	_ =	shalt  }
0x7e: {  	_ =	shalt  }
0x7f: {  	_ =	shalt  }
0x80: {  	_ =	shalt  }
0x81: {  	_ =	shalt  }
0x82: {  	_ =	shalt  }
0x83: {  	_ =	shalt  }
0x84: {  	_ =	shalt  }
0x85: {  	_ =	shalt  }
0x86: {  	_ =	shalt  }
0x87: {  	_ =	shalt  }
.Lfunc_end0:
.L_simem_size_0:
called_computation_lowered:
.L_overlay_start_0:
0x88: {  	s2 =	sld [smem:$0x3FD9]  }
0x89: {  	s3 =	sld [smem:$0x3FFE];
	_ =	sdelay $0x1  }
0x8a: {  	s1 =	srdreg.scid  }
0x8b: {  	s0 =	sand.u32 $0x1, s1  }
0x8c: {  	s17 =	sshll.u32 s0, $0xA;
	s2 =	sadd.s32 s3, s2  }
0x8d: {  	s2 =	sadd.s32 s2, s17  }
0x8e: {  	[smem:$0x3FC2] =	sst s2  }
0x8f: {  	_ = 	snop  }
0x90: {  	s2 =	sld [smem:$0x3FD0];
	(tm) =	ssettm $0x1  }
0x91: {  	s18 =	sld [smem:$0x3FFB];
	_ =	sdelay $0x3  }
0x92: {  	_ =	strace s18  }
0x93: {  	s3 =	sld [smem:$0x3FFC];
	_ =	sdelay $0x3  }
0x94: {  	_ =	strace s3  }
0x95: {  	s3 =	sld [smem:$0x3FFD];
	_ =	sdelay $0x3  }
0x96: {  	_ =	strace s3  }
0x97: {  	_ =	strace $0x8FFFFFFF  }
0x98: {  	s19 =	sld [smem:$0x3FDB];
	_ =	sdelay $0x1  }
0x99: {  	s4 =	simm.s32 $_scs_section_size  }
0x9a: {  	s5 =	simm.s32 $_size__tile_overlayer_lowered;
	s6 =	simm.s32 $_tile_overlayer_lowered  }
0x9b: {  	s22 =	simm.s32 $0x1BFF;
	s21 =	sshll.u32 s6, $0x1;
	s3 =	sadd.s32 s4, s19  }
0x9c: {  	s7 =	simm.s32 $0x0;
	s20 =	sshll.u32 s5, $0x1;
	s5 =	sadd.s32 s21, s3  }
0x9d: {  	[timem:s7], [sflag:s22] =	dma.local [hbm:s5], s20  }
0x9e: {  	_ =	swait.ge [sflag:s22], s20  }
0x9f: {  	s4 =	ssub.s32 $0x0, s20;
	[sflag:s22] =	ssyncset.done $0x0  }
0xa0: {  	[sflag:s22] =	ssyncadd.s32 s4;
	_ =	sdelay $0x1  }
0xa1: {  	s23 =	simm.s32 $0x1B8B  }
0xa2: {  	_ =	swait.ge [sflag:s23], $0x1  }
0xa3: {  	[sflag:s23] =	ssyncset.done $0x0  }
0xa4: {  	s25 =	simm.s32 $0x1B8E;
	s24 =	sld [smem:$0x3FFE];
	[sflag:s23] =	ssyncadd.s32 $0xFFFFFFFF  }
0xa5: {  	s26 =	simm.s32 $execute0_lowered;
	[smem:$0x3FD2] =	sst s25  }
0xa6: {  	s5 =	sshll.u32 s26, $0x1;
	_ =	strace $0x80000046;
	[dreg:$0x1] =	wrdreg $0xFFFFFFFF  }
0xa7: {  	s28 =	simm.s32 $_size_execute0_lowered;
	s3 =	sadd.s32 s3, s5;
	[dreg:$0x0] =	wrdreg $0x0  }
0xa8: {  	s5 =	sshll.u32 s28, $0x1;
	[dreg:$0x2] =	wrdreg s3  }
0xa9: {  	[dreg:$0x3] =	wrdreg s5  }
0xaa: {  	[dreg:$0x4] =	wrdreg $0xC0  }
0xab: {  	_ =	task [dreg:s7], $0x5FFFF  }
0xac: {  	[dreg:$0x1] =	wrdreg $0xFFFFFFFF  }
0xad: {  	[dreg:$0x0] =	wrdreg $0x60  }
0xae: {  	[dreg:$0x2] =	wrdreg s2  }
0xaf: {  	[dreg:$0x3] =	wrdreg s24  }
0xb0: {  	[dreg:$0x4] =	wrdreg $0x0  }
0xb1: {  	[dreg:$0x5] =	wrdreg $0x9  }
0xb2: {  	_ =	task.clear_ibuf [dreg:s7], $0x6FFFF;
	_ =	strace $0x90000046  }
0xb3: {  	s29 =	simm.s32 $0x9;
	_ =	strace $0x80000048  }
0xb4: {  	_ =	swait.ge [sflag:s29], $0x1  }
0xb5: {  	[sflag:s29] =	ssyncadd.s32 $0xFFFFFFFF  }
0xb6: {  	_ =	strace $0x90000048  }
0xb7: {  	_ =	sfence  }
0xb8: {  	s30 =	sld [smem:$0x0];
	_ =	sdelay $0x2  }
0xb9: {  	s31 =	sshll.u32 s1, $0xD;
	s1 =	sshrl.u32 s1, $0x2  }
0xba: {  	s3 =	sand.u32 $0x4000, s31;
	s1 =	sadd.s32 s1, s30  }
0xbb: {  	s0 =	sor.u32 s3, s0;
	s1 =	sshll.u32 s1, $0x11  }
0xbc: {  	s0 =	sor.u32 s1, s0  }
0xbd: {  	s0 =	sadd.s32 $0x8F2B, s0  }
0xbe: {  	[sflag:s0] =	ssyncadd.remote.s32 $0x1  }
0xbf: {  	_ =	sfence.sel $0xFFFF  }
0xc0: {  	[dreg:$0x0] =	wrdreg $0xFFFFFFFF;
	(pc) =	sbr.abs _section_cstart, $3  }
0xc1: {  	[dreg:$0x1] =	wrdreg $0xFFFFFFFF  }
0xc2: {  	_ =	task.clear_ibuf [dreg:s7], $0x2FFFF;
	_ =	strace $0x9FFFFFFF  }
0xc3: {  	(tm) =	ssettm $0x7FFFFFFF  }
tec
execute0_lowered:
.L_overlay_start_1:
0x0: {  	(tag) =	ssettag $0x1  }
0x1: {  	s6 =	rddreg [dreg:$0x0]  }
0x2: {  	s7 =	rddreg [dreg:$0x1]  }
0x3: {  	s1 =	rddreg [dreg:$0x2]  }
0x4: {  	s2 =	srdreg.scid;
	s0 =	rddreg [dreg:$0x3];
	s3 =	simm.s32 $0x0  }
0x5: {  	s12 =	simm.s32 $0x14000;
	s13 =	simm.s32 $0x1;
	s14 =	simm.s32 $0x50  }
0x6: {  	s15 =	simm.s32 $0x14080;
	s16 =	simm.s32 $0x14100;
	s17 =	simm.s32 $0x14180  }
0x7: {  	s19 =	simm.s32 $0x2;
	s8 =	sand.u32 $0x1, s2;
	s2 =	stileid.u32  }
0x8: {  	s20 =	simm.s32 $0x0;
	[smem:$0x7FF] =	sst s3;
	s5 =	smul.u32 $0x140000, s8  }
0x9: {  	s4 =	sadd.s32 $0xDE00, s7;
	s9 =	smul.u32 $0x14000, s2;
	_ =	strace $0x80000047  }
0xa: {  	s10 =	smul.u32 $0x50000, s2;
	s11 =	ssub.s32 $0x2, s8;
	s31 =	sshll.u32 s2, $0xB  }
0xb: {  	s18 =	sshll.u32 s2, $0x6;
	s8 =	sshll.u32 s8, $0xF;
	s30 =	sshrl.u32 s11, $0x1  }
0xc: {  	s9 =	sadd.s32 s9, s5;
	s5 =	sadd.s32 $0xB600, s7;
	s10 =	sshrl.u32 s10, $0x2  }
0xd: {  	s11 =	ssub.s32 s11, s30;
	s9 =	sshrl.u32 s9, $0x3;
	s10 =	sadd.s32 s10, s1  }
0xe: {  	s9 =	sadd.s32 s9, s7;
	s7 =	sadd.s32 s6, s31;
	s6 =	sor.u32 $0x1C01, s18  }
0xf: {  	s10 =	sshrl.u32 s10, $0x3;
	s18 =	sor.u32 $0x1C02, s18;
	s7 =	sadd.s32 s8, s7  }
0x10: {  	s8 =	sadd.s32 $0xE400, s9;
	s9 =	smax.u32 s11, $0x1;
	s11 =	simm.s32 $0x18000  }
.LBB2_1:
0x11: {  	[spmem:s10], [sflag:s6] =	dma.local [hbm:s5], $0x2800  }
0x12: {  	[tilespmem:s11], [sflag:$0x1] =	stream.linear.gather [hbm4b:s4+s3], $0x2800, $0x38;
	[tilespmem:$0x1A800] =	vst v63  }
0x13: {  	_ = 	snop  }
0x14: {  	[tilespmem:s12], [sflag:$0x1] =	stream.linear.gather [hbm4b:s7+s3], $0x3E80, $0x38;
	[tilespmem:$0x1A800] =	vst v63  }
0x15: {  	_ =	swait.ge [sflag:s13], $0x2800  }
0x16: {  	[sflag:s13] =	ssyncset.done $0x0  }
0x17: {  	[sflag:s13] =	ssyncadd.s32 $0xFFFFD800  }
0x18: {  	_ =	swait.ge [sflag:s13], $0x2800  }
0x19: {  	[sflag:s13] =	ssyncset.done $0x0  }
0x1a: {  	[sflag:s13] =	ssyncadd.s32 $0xFFFFD800  }
0x1b: {  	_ =	swait.ge [sflag:s13], $0x3E80  }
0x1c: {  	[sflag:s13] =	ssyncset.done $0x0  }
0x1d: {  	[sflag:s13] =	ssyncadd.s32 $0xFFFFC180  }
0x1e: {  	[bflag:$0x0] =	sbarrier.arrive $0xFFFF  }
0x1f: {  	[spmem:s1] =	stream.indirect.scatter.add.f32 [tilespmem:s11], [sflag:$0x1], $0x80, s12, s14, $0xb8;
	[tilespmem:$0x1A800] =	vst v63  }
0x20: {  	_ = 	snop  }
0x21: {  	[spmem:s1] =	stream.indirect.scatter.add.f32 [tilespmem:s11], [sflag:$0x1], $0x80, s15, s14, $0xb8;
	[tilespmem:$0x1A800] =	vst v63  }
0x22: {  	_ = 	snop  }
0x23: {  	[spmem:s1] =	stream.indirect.scatter.add.f32 [tilespmem:s11], [sflag:$0x1], $0x80, s16, s14, $0xb8;
	[tilespmem:$0x1A800] =	vst v63  }
0x24: {  	_ = 	snop  }
0x25: {  	[spmem:s1] =	stream.indirect.scatter.add.f32 [tilespmem:s11], [sflag:$0x1], $0x80, s17, s14, $0xb8;
	[tilespmem:$0x1A800] =	vst v63  }
0x26: {  	s21 =	simm.s32 $0x14200  }
0x27: {  	[spmem:s1] =	stream.indirect.scatter.add.f32 [tilespmem:s11], [sflag:$0x1], $0x80, s21, s14, $0xb8;
	[tilespmem:$0x1A800] =	vst v63  }
0x28: {  	s21 =	simm.s32 $0xA00;
	_ =	swait.ge [sflag:s13], $0x2800  }
.LBB2_2:
0x29: {  	s22 =	sshra.s32 s21, $0x2;
	[sflag:s13] =	ssyncset.done $0x0;
	p0 =	sne.s32 s21, $0xF800  }
.Ltmp0:
0x2a: {  	s22 =	sadd.s32 $0x14000, s22;
	[sflag:s13] =	ssyncadd.s32 $0xFFFFD800;
	(pc) =	sbr.rel @p0 .LBB2_2-.Ltmp0, $3  }
0x2b: {  	[spmem:s1] =	stream.indirect.scatter.add.f32 [tilespmem:s11], [sflag:$0x1], $0x80, s22, s14, $0xb8;
	[tilespmem:$0x1A800] =	vst v63  }
0x2c: {  	s21 =	sadd.s32 $0x200, s21;
	_ =	sdelay $0x1  }
0x2d: {  	_ =	swait.ge [sflag:s13], $0x2800  }
0x2e: {  	[sflag:s13] =	ssyncset.done $0x0  }
0x2f: {  	[sflag:s13] =	ssyncadd.s32 $0xFFFFD800  }
0x30: {  	_ =	swait.ge [sflag:s13], $0x2800  }
0x31: {  	[sflag:s13] =	ssyncset.done $0x0  }
0x32: {  	[sflag:s13] =	ssyncadd.s32 $0xFFFFD800  }
0x33: {  	_ =	swait.ge [sflag:s13], $0x2800  }
0x34: {  	[sflag:s13] =	ssyncset.done $0x0  }
0x35: {  	[sflag:s13] =	ssyncadd.s32 $0xFFFFD800  }
0x36: {  	_ =	swait.ge [sflag:s13], $0x2800  }
0x37: {  	[sflag:s13] =	ssyncset.done $0x0  }
0x38: {  	[sflag:s13] =	ssyncadd.s32 $0xFFFFD800  }
0x39: {  	_ =	swait.ge [sflag:s13], $0x2800  }
0x3a: {  	s20 =	sadd.s32 $0x1, s20;
	[sflag:s13] =	ssyncset.done $0x0  }
0x3b: {  	p0 =	sne.s32 s20, s9;
	[sflag:s13] =	ssyncadd.s32 $0xFFFFD800  }
.Ltmp1:
0x3c: {  	[bflag:$0x0] =	sbarrier.arrive $0xFFFF;
	(pc) =	sbr.rel @p0 .LBB2_1-.Ltmp1, $4  }
0x3d: {  	[hbm:s8], [sflag:s18] =	dma.local [spmem:s10], $0x2800  }
0x3e: {  	_ =	swait.ge [sflag:s19], $0x2800  }
0x3f: {  	[sflag:s19] =	ssyncset.done $0x0  }
0x40: {  	[sflag:s19] =	ssyncadd.s32 $0xFFFFD800  }
0x41: {  	_ =	sfence.sel $0x180000  }
0x42: {  	[bflag:$0x0] =	sbarrier.arrive $0xFFFF  }
0x43: {  	p0 =	sne.s32 s2, $0x0;
	_ =	strace $0x90000047  }
0x44: {  	s0 =	sadd.s32 @!p0 $0x100000, s0;
	[bflag:$0x2] =	sbarrier.arrive $0xFFFF  }
0x45: {  	[sflag:s0] =	ssyncadd.tile.s32 @!p0 $0x1;
	_ =	shalt  }
.Lfunc_end2:
_tile_overlayer_lowered:
.L_overlay_start_2:
0x46: {  	(tag) =	ssettag $0x2  }
0x47: {  	s0 =	rddreg [dreg:$0x0];
	s2 =	stileid.u32  }
0x48: {  	s1 =	rddreg [dreg:$0x1];
	p0 =	sne.s32 s2, $0x0  }
0x49: {  	s3 =	rddreg [dreg:$0x2];
	[bflag:$0x3] =	sbarrier.arrive $0xFFFF;
	s2 =	simm.s32 @!p0 $0x1C02  }
0x4a: {  	[timem:s3], [sflag:s2] =	dma.local @!p0 [hbm:s0], s1  }
0x4b: {  	s0 =	simm.s32 @!p0 $0x2  }
0x4c: {  	_ =	swait.ge @!p0 [sflag:s0], s1  }
0x4d: {  	s1 =	ssub.s32 @!p0 $0x0, s1;
	[sflag:s0] =	ssyncset.done @!p0 $0x0  }
0x4e: {  	[sflag:s0] =	ssyncadd.s32 @!p0 s1  }
0x4f: {  	[bflag:$0x3] =	sbarrier.arrive $0xFFFF  }
0x50: {  	_ =	shalt  }

</sc_bundles>
